<compile_context>
chip_gen: v7x
topology: tpu7x:2x2x1
jax: 0.10.2.dev20260603
libtpu: 0.0.44.dev20260713+nightly
codegen_flags: <defaults>
</compile_context>

<pallas_src>
import functools

import jax
import jax.numpy as jnp
from jax import lax
from jax.experimental import pallas as pl
from jax.experimental.pallas import tpu as pltpu
from jax.experimental.pallas import tpu_sc as plsc

N_NODES = 10000
N_EDGES = 320000
LANES = 128
N_ROWS = N_EDGES // LANES
NC, NS = 2, 16
NW = NC * NS
ROWS_PER_W = N_ROWS // NW
ROWS_EXTRA = N_ROWS % NW
NODES_PER_S = N_NODES // NS

_mesh = functools.partial(
    plsc.VectorSubcoreMesh, core_axis_name="c", subcore_axis_name="s")


def _worker_rows():
    c = lax.axis_index("c")
    s = lax.axis_index("s")
    wid = s * NC + c
    base = wid * ROWS_PER_W + jnp.minimum(wid, ROWS_EXTRA)
    n = ROWS_PER_W + (wid < ROWS_EXTRA).astype(jnp.int32)
    return c, s, base, n



@functools.partial(
    pl.kernel, mesh=_mesh(),
    out_type=jax.ShapeDtypeStruct((N_EDGES, 32), jnp.float32),
    compiler_params=pltpu.CompilerParams(use_tc_tiling_on_sc=False),
    scratch_types=[
        pltpu.VMEM((LANES,), jnp.int32),
        pltpu.VMEM((LANES, 32), jnp.float32),
        pltpu.SemaphoreType.DMA,
    ],
)
def _sc_gather(tab_hbm, src_hbm, out_hbm, idx_v, rows_v, sem):
    _, _, base, n = _worker_rows()

    def body(i, carry):
        r = base + i
        pltpu.sync_copy(src_hbm.at[r], idx_v)
        pltpu.async_copy(tab_hbm.at[idx_v], rows_v, sem).wait()
        pltpu.sync_copy(rows_v, out_hbm.at[pl.ds(r * LANES, LANES)])
        return carry

    lax.fori_loop(0, n, body, 0)



@functools.partial(
    pl.kernel, mesh=_mesh(),
    out_type=jax.ShapeDtypeStruct((NC, N_NODES, 32), jnp.float32),
    compiler_params=pltpu.CompilerParams(use_tc_tiling_on_sc=False),
    scratch_types=[
        pltpu.VMEM((ROWS_PER_W + 1, LANES), jnp.int32),
        pltpu.VMEM((LANES, 32), jnp.float32),
        pltpu.VMEM_SHARED((N_NODES, 32), jnp.float32),
        pltpu.SemaphoreType.DMA,
    ],
)
def _sc_scatter(msg_hbm, dst_hbm, zeros_hbm, out_hbm, idx_v, rows_v, acc, sem):
    c, s, base, n = _worker_rows()

    pltpu.sync_copy(zeros_hbm.at[pl.ds(s * NODES_PER_S, NODES_PER_S)],
                    acc.at[pl.ds(s * NODES_PER_S, NODES_PER_S)])
    plsc.subcore_barrier()

    pltpu.sync_copy(dst_hbm.at[pl.ds(base, ROWS_PER_W)],
                    idx_v.at[pl.ds(0, ROWS_PER_W)])

    @pl.when(n > ROWS_PER_W)
    def _():
        pltpu.sync_copy(dst_hbm.at[pl.ds(base + ROWS_PER_W, 1)],
                        idx_v.at[pl.ds(ROWS_PER_W, 1)])

    def body(j, carry):
        r = base + j
        pltpu.sync_copy(msg_hbm.at[pl.ds(r * LANES, LANES)], rows_v)
        pltpu.sync_copy(rows_v, acc.at[idx_v.at[j]], add=True)
        return carry

    lax.fori_loop(0, n, body, 0)
    plsc.subcore_barrier()

    pltpu.sync_copy(acc.at[pl.ds(s * NODES_PER_S, NODES_PER_S)],
                    out_hbm.at[c, pl.ds(s * NODES_PER_S, NODES_PER_S)])



def _node_body(nf_ref, w1_ref, wskip_ref, bskip_ref, msg_ref, skip_ref):
    nf = nf_ref[...]
    msg_ref[...] = jnp.dot(nf, w1_ref[...], preferred_element_type=jnp.float32)
    skip_ref[...] = (
        jnp.dot(nf, wskip_ref[...], preferred_element_type=jnp.float32)
        + bskip_ref[...])


def _edge_body(g_ref, ef_ref, we2_ref, bh_ref, wm2_ref, bm2_ref, msg_ref):
    h = (g_ref[...]
         + jnp.dot(ef_ref[...], we2_ref[...], preferred_element_type=jnp.float32)
         + bh_ref[...])
    msg_ref[...] = (
        jnp.dot(jnp.maximum(h, 0.0), wm2_ref[...],
                preferred_element_type=jnp.float32)
        + bm2_ref[...])


def _update_body(skip_ref, p_ref, wu1b_ref, wu2_ref, bu2_ref, out_ref):
    agg = p_ref[0] + p_ref[1]
    u = jnp.maximum(
        skip_ref[...]
        + jnp.dot(agg, wu1b_ref[...], preferred_element_type=jnp.float32),
        0.0)
    out_ref[...] = (
        jnp.dot(u, wu2_ref[...], preferred_element_type=jnp.float32)
        + bu2_ref[...])


def kernel(node_features, edge_indices, edge_features,
           Wn, bn, We, be, Wm1, bm1, Wm2, bm2, Wu1, bu1, Wu2, bu2):
    H = 32
    src = edge_indices[0].astype(jnp.int32).reshape(N_ROWS, LANES)
    dst = edge_indices[1].astype(jnp.int32).reshape(N_ROWS, LANES)

    W1 = Wn @ Wm1[:H]
    We2 = We @ Wm1[H:]
    b_h = (bn @ Wm1[:H] + be @ Wm1[H:] + bm1).reshape(1, H)
    bskip = bu1.reshape(1, H)
    bm2_r = bm2.reshape(1, H)
    bu2_r = bu2.reshape(1, H)

    node_msg, skip = pl.pallas_call(
        _node_body,
        out_shape=(
            jax.ShapeDtypeStruct((N_NODES, H), jnp.float32),
            jax.ShapeDtypeStruct((N_NODES, H), jnp.float32),
        ),
    )(node_features, W1, Wu1[:128], bskip)

    g = _sc_gather(node_msg, src)

    EB = 8000
    n_eb = N_EDGES // EB
    msg = pl.pallas_call(
        _edge_body,
        grid=(n_eb,),
        in_specs=[
            pl.BlockSpec((EB, H), lambda i: (i, 0)),
            pl.BlockSpec((EB, 16), lambda i: (i, 0)),
            pl.BlockSpec((16, H), lambda i: (0, 0)),
            pl.BlockSpec((1, H), lambda i: (0, 0)),
            pl.BlockSpec((H, H), lambda i: (0, 0)),
            pl.BlockSpec((1, H), lambda i: (0, 0)),
        ],
        out_specs=pl.BlockSpec((EB, H), lambda i: (i, 0)),
        out_shape=jax.ShapeDtypeStruct((N_EDGES, H), jnp.float32),
    )(g, edge_features, We2, b_h, Wm2, bm2_r)

    partials = _sc_scatter(msg, dst, jnp.zeros((N_NODES, H), jnp.float32))

    out = pl.pallas_call(
        _update_body,
        out_shape=jax.ShapeDtypeStruct((N_NODES, H), jnp.float32),
    )(skip, partials, Wu1[128:], Wu2, bu2_r)
    return out

# --- scband reference (transcript-rebuilt; emitter-appended) ---
"""Pipeline reference for scband-graph-conv-layer-55018531062596 (READ-ONLY COPY).

The authoritative reference and input builder live on the scoring server;
editing this copy changes nothing except your own understanding.
"""

import jax, jax.numpy as jnp
import numpy as np

NODE_DIM = 128
EDGE_DIM = 16
HIDDEN_DIM = 32
OUT_DIM = 32
N_NODES = 10000
N_EDGES = 320000


def setup_inputs(seed: int = 0) -> dict:
    key = jax.random.key(seed)
    ks = jax.random.split(key, 16)
    node_features = jax.random.normal(ks[0], (N_NODES, NODE_DIM), dtype=jnp.float32)
    edge_indices = jax.random.randint(ks[1], (2, N_EDGES), 0, N_NODES, dtype=jnp.int64)
    edge_features = jax.random.normal(ks[2], (N_EDGES, EDGE_DIM), dtype=jnp.float32)
    def lin(k, fan_in, fan_out):
        kw, kb = jax.random.split(k)
        bound = 1.0 / np.sqrt(fan_in)
        W = jax.random.uniform(kw, (fan_in, fan_out), minval=-bound, maxval=bound, dtype=jnp.float32)
        b = jax.random.uniform(kb, (fan_out,), minval=-bound, maxval=bound, dtype=jnp.float32)
        return W, b
    Wn, bn = lin(ks[3], NODE_DIM, HIDDEN_DIM)
    We, be = lin(ks[4], EDGE_DIM, HIDDEN_DIM)
    Wm1, bm1 = lin(ks[5], HIDDEN_DIM * 2, HIDDEN_DIM)
    Wm2, bm2 = lin(ks[6], HIDDEN_DIM, OUT_DIM)
    Wu1, bu1 = lin(ks[7], NODE_DIM + OUT_DIM, HIDDEN_DIM)
    Wu2, bu2 = lin(ks[8], HIDDEN_DIM, OUT_DIM)
    return {
        "node_features": node_features,
        "edge_indices": edge_indices,
        "edge_features": edge_features,
        "Wn": Wn, "bn": bn, "We": We, "be": be,
        "Wm1": Wm1, "bm1": bm1, "Wm2": Wm2, "bm2": bm2,
        "Wu1": Wu1, "bu1": bu1, "Wu2": Wu2, "bu2": bu2,
    }


def reference(node_features, edge_indices, edge_features, Wn, bn, We, be, Wm1, bm1, Wm2, bm2, Wu1, bu1, Wu2, bu2):
    node_emb = node_features @ Wn + bn
    edge_emb = edge_features @ We + be
    src = edge_indices[0]
    dst = edge_indices[1]
    messages = jnp.concatenate([jnp.take(node_emb, src, axis=0), edge_emb], axis=-1)
    messages = jnp.maximum(messages @ Wm1 + bm1, 0.0) @ Wm2 + bm2
    aggregated = jnp.zeros((node_features.shape[0], messages.shape[-1]), dtype=node_emb.dtype)
    aggregated = aggregated.at[dst].add(messages)
    updated = jnp.concatenate([node_features, aggregated], axis=-1)
    return jnp.maximum(updated @ Wu1 + bu1, 0.0) @ Wu2 + bu2

if __name__ == "__main__":
    import jax
    _d = setup_inputs()
    print(jax.jit(kernel)(*tuple(_d.values())))

</pallas_src>

<mosaic_0001>
#map = affine_map<(d0, d1) -> (0, 0)>
module attributes {stable_mosaic.version = 14 : i64} {
  func.func @_sc_gather(%arg0: i32, %arg1: i32, %arg2: memref<10000x32xf32, #tpu.memory_space<hbm>>, %arg3: memref<2500x128xi32, #tpu.memory_space<hbm>>, %arg4: memref<320000x32xf32, #tpu.memory_space<hbm>>, %arg5: memref<128xi32, #tpu.memory_space<vmem>>, %arg6: memref<128x32xf32, #tpu.memory_space<vmem>>, %arg7: memref<!tpu.dma_semaphore, #tpu.memory_space<semaphore_mem>>) attributes {dimension_semantics = [#tpu.dimension_semantics<core_parallel>, #tpu.dimension_semantics<subcore_parallel>], iteration_bounds = array<i64: 2, 16>, scalar_prefetch = 0 : i64, scratch_operands = 3 : i64, tpu.core_type = #tpu.core_type<sc_vector_subcore>, window_params = [{transform_indices = #map}, {transform_indices = #map}, {transform_indices = #map}]} {
    %mul3A = arith.constant 2 : i32
    %mul3A_0 = arith.muli %arg1, %mul3A : i32
    %add3A = arith.addi %mul3A_0, %arg0 : i32
    %mul3A_1 = arith.constant 78 : i32
    %mul3A_2 = arith.muli %add3A, %mul3A_1 : i32
    %min3A = arith.constant 4 : i32
    %min3A_3 = arith.minsi %add3A, %min3A : i32
    %add3A_4 = arith.addi %mul3A_2, %min3A_3 : i32
    %lt3A = arith.constant 4 : i32
    %lt3A_5 = arith.cmpi slt, %add3A, %lt3A : i32
    %convert_element_type3A = arith.extui %lt3A_5 : i1 to i32
    %add3A_6 = arith.constant 78 : i32
    %add3A_7 = arith.addi %add3A_6, %convert_element_type3A : i32
    %while3A = arith.constant 0 : i32
    %while3A_8 = arith.constant 0 : i32
    %while3A_9 = arith.subi %add3A_7, %while3A_8 : i32
    %while3A_10 = arith.addi %while3A_8, %while3A_9 : i32
    %while3A_11 = arith.constant 1 : i32
    %while3A_12 = arith.divsi %while3A_9, %while3A_11 : i32
    %while3A_13 = arith.muli %while3A_12, %while3A_11 : i32
    %while3A_14 = arith.addi %while3A_8, %while3A_13 : i32
    %while3A_15 = arith.constant 1 : i32
    scf.for %while3A_17 = %while3A_8 to %while3A_14 step %while3A_15  : i32 {
      %add3A_18 = arith.addi %add3A_4, %while3A_17 : i32
      "tpu.region"() ({
        %run_scoped3A = tpu.sem_alloc : memref<!tpu.dma_semaphore, #tpu.memory_space<semaphore_mem>>
        %dma_start3A_25 = arith.constant 0 : i32
        %dma_start3A_26 = tpu.memref_slice %arg3[%add3A_18, %dma_start3A_25] : memref<2500x128xi32, #tpu.memory_space<hbm>> -> memref<1x128xi32, #tpu.memory_space<hbm>>
        %dma_start3A_27 = tpu.memref_squeeze %dma_start3A_26 : memref<1x128xi32, #tpu.memory_space<hbm>> -> memref<128xi32, #tpu.memory_space<hbm>>
        %dma_start3A_28 = arith.constant 0 : i32
        %dma_start3A_29 = tpu.memref_slice %arg3[%add3A_18, %dma_start3A_28] : memref<2500x128xi32, #tpu.memory_space<hbm>> -> memref<1x128xi32, #tpu.memory_space<hbm>>
        %dma_start3A_30 = tpu.memref_squeeze %dma_start3A_29 : memref<1x128xi32, #tpu.memory_space<hbm>> -> memref<128xi32, #tpu.memory_space<hbm>>
        tpu.enqueue_dma source(%dma_start3A_30 : memref<128xi32, #tpu.memory_space<hbm>>) target(%arg5 : memref<128xi32, #tpu.memory_space<vmem>>) target_semaphore(%run_scoped3A : memref<!tpu.dma_semaphore, #tpu.memory_space<semaphore_mem>>)
        %dma_wait3A_31 = arith.constant 0 : i32
        %dma_wait3A_32 = tpu.memref_slice %arg3[%add3A_18, %dma_wait3A_31] : memref<2500x128xi32, #tpu.memory_space<hbm>> -> memref<1x128xi32, #tpu.memory_space<hbm>>
        %dma_wait3A_33 = tpu.memref_squeeze %dma_wait3A_32 : memref<1x128xi32, #tpu.memory_space<hbm>> -> memref<128xi32, #tpu.memory_space<hbm>>
        %dma_wait3A_34 = arith.constant 0 : i32
        %dma_wait3A_35 = tpu.memref_slice %arg3[%add3A_18, %dma_wait3A_34] : memref<2500x128xi32, #tpu.memory_space<hbm>> -> memref<1x128xi32, #tpu.memory_space<hbm>>
        %dma_wait3A_36 = tpu.memref_squeeze %dma_wait3A_35 : memref<1x128xi32, #tpu.memory_space<hbm>> -> memref<128xi32, #tpu.memory_space<hbm>>
        tpu.wait_dma2 semaphore(%run_scoped3A : memref<!tpu.dma_semaphore, #tpu.memory_space<semaphore_mem>>) src(%dma_wait3A_36 : memref<128xi32, #tpu.memory_space<hbm>>) dst(%arg5 : memref<128xi32, #tpu.memory_space<vmem>>)
        tpu.yield
      }) : () -> ()
      %dma_start3A = arith.constant 0 : i32
      %dma_start3A_19 = arith.constant 0 : i32
      %dma_start3A_20 = tpu.memref_slice %arg2[%dma_start3A, %dma_start3A_19] : memref<10000x32xf32, #tpu.memory_space<hbm>> -> memref<10000x32xf32, #tpu.memory_space<hbm>>
      tpu.enqueue_indirect_dma source(%dma_start3A_20 : memref<10000x32xf32, #tpu.memory_space<hbm>>) target(%arg6 : memref<128x32xf32, #tpu.memory_space<vmem>>) offsets(%arg5 : memref<128xi32, #tpu.memory_space<vmem>>) semaphore(%arg7 : memref<!tpu.dma_semaphore, #tpu.memory_space<semaphore_mem>>)
      %dma_wait3A = arith.constant 0 : i32
      %dma_wait3A_21 = arith.constant 0 : i32
      %dma_wait3A_22 = tpu.memref_slice %arg2[%dma_wait3A, %dma_wait3A_21] : memref<10000x32xf32, #tpu.memory_space<hbm>> -> memref<10000x32xf32, #tpu.memory_space<hbm>>
      tpu.wait_indirect_dma semaphore(%arg7 : memref<!tpu.dma_semaphore, #tpu.memory_space<semaphore_mem>>) src(%dma_wait3A_22 : memref<10000x32xf32, #tpu.memory_space<hbm>>) dst(%arg6 : memref<128x32xf32, #tpu.memory_space<vmem>>)
      %mul3A_23 = arith.constant 128 : i32
      %mul3A_24 = arith.muli %add3A_18, %mul3A_23 : i32
      "tpu.region"() ({
        %run_scoped3A = tpu.sem_alloc : memref<!tpu.dma_semaphore, #tpu.memory_space<semaphore_mem>>
        %dma_start3A_25 = arith.constant 0 : i32
        %dma_start3A_26 = tpu.memref_slice %arg4[%mul3A_24, %dma_start3A_25] : memref<320000x32xf32, #tpu.memory_space<hbm>> -> memref<128x32xf32, #tpu.memory_space<hbm>>
        %dma_start3A_27 = arith.constant 0 : i32
        %dma_start3A_28 = tpu.memref_slice %arg4[%mul3A_24, %dma_start3A_27] : memref<320000x32xf32, #tpu.memory_space<hbm>> -> memref<128x32xf32, #tpu.memory_space<hbm>>
        tpu.enqueue_dma source(%arg6 : memref<128x32xf32, #tpu.memory_space<vmem>>) target(%dma_start3A_28 : memref<128x32xf32, #tpu.memory_space<hbm>>) target_semaphore(%run_scoped3A : memref<!tpu.dma_semaphore, #tpu.memory_space<semaphore_mem>>)
        %dma_wait3A_29 = arith.constant 0 : i32
        %dma_wait3A_30 = tpu.memref_slice %arg4[%mul3A_24, %dma_wait3A_29] : memref<320000x32xf32, #tpu.memory_space<hbm>> -> memref<128x32xf32, #tpu.memory_space<hbm>>
        %dma_wait3A_31 = arith.constant 0 : i32
        %dma_wait3A_32 = tpu.memref_slice %arg4[%mul3A_24, %dma_wait3A_31] : memref<320000x32xf32, #tpu.memory_space<hbm>> -> memref<128x32xf32, #tpu.memory_space<hbm>>
        tpu.wait_dma2 semaphore(%run_scoped3A : memref<!tpu.dma_semaphore, #tpu.memory_space<semaphore_mem>>) src(%arg6 : memref<128x32xf32, #tpu.memory_space<vmem>>) dst(%dma_wait3A_32 : memref<128x32xf32, #tpu.memory_space<hbm>>)
        tpu.yield
      }) : () -> ()
    }
    %while3A_16 = arith.constant 1 : i32
    scf.for %while3A_17 = %while3A_14 to %while3A_10 step %while3A_16  : i32 {
      %add3A_18 = arith.addi %add3A_4, %while3A_17 : i32
      "tpu.region"() ({
        %run_scoped3A = tpu.sem_alloc : memref<!tpu.dma_semaphore, #tpu.memory_space<semaphore_mem>>
        %dma_start3A_25 = arith.constant 0 : i32
        %dma_start3A_26 = tpu.memref_slice %arg3[%add3A_18, %dma_start3A_25] : memref<2500x128xi32, #tpu.memory_space<hbm>> -> memref<1x128xi32, #tpu.memory_space<hbm>>
        %dma_start3A_27 = tpu.memref_squeeze %dma_start3A_26 : memref<1x128xi32, #tpu.memory_space<hbm>> -> memref<128xi32, #tpu.memory_space<hbm>>
        %dma_start3A_28 = arith.constant 0 : i32
        %dma_start3A_29 = tpu.memref_slice %arg3[%add3A_18, %dma_start3A_28] : memref<2500x128xi32, #tpu.memory_space<hbm>> -> memref<1x128xi32, #tpu.memory_space<hbm>>
        %dma_start3A_30 = tpu.memref_squeeze %dma_start3A_29 : memref<1x128xi32, #tpu.memory_space<hbm>> -> memref<128xi32, #tpu.memory_space<hbm>>
        tpu.enqueue_dma source(%dma_start3A_30 : memref<128xi32, #tpu.memory_space<hbm>>) target(%arg5 : memref<128xi32, #tpu.memory_space<vmem>>) target_semaphore(%run_scoped3A : memref<!tpu.dma_semaphore, #tpu.memory_space<semaphore_mem>>)
        %dma_wait3A_31 = arith.constant 0 : i32
        %dma_wait3A_32 = tpu.memref_slice %arg3[%add3A_18, %dma_wait3A_31] : memref<2500x128xi32, #tpu.memory_space<hbm>> -> memref<1x128xi32, #tpu.memory_space<hbm>>
        %dma_wait3A_33 = tpu.memref_squeeze %dma_wait3A_32 : memref<1x128xi32, #tpu.memory_space<hbm>> -> memref<128xi32, #tpu.memory_space<hbm>>
        %dma_wait3A_34 = arith.constant 0 : i32
        %dma_wait3A_35 = tpu.memref_slice %arg3[%add3A_18, %dma_wait3A_34] : memref<2500x128xi32, #tpu.memory_space<hbm>> -> memref<1x128xi32, #tpu.memory_space<hbm>>
        %dma_wait3A_36 = tpu.memref_squeeze %dma_wait3A_35 : memref<1x128xi32, #tpu.memory_space<hbm>> -> memref<128xi32, #tpu.memory_space<hbm>>
        tpu.wait_dma2 semaphore(%run_scoped3A : memref<!tpu.dma_semaphore, #tpu.memory_space<semaphore_mem>>) src(%dma_wait3A_36 : memref<128xi32, #tpu.memory_space<hbm>>) dst(%arg5 : memref<128xi32, #tpu.memory_space<vmem>>)
        tpu.yield
      }) : () -> ()
      %dma_start3A = arith.constant 0 : i32
      %dma_start3A_19 = arith.constant 0 : i32
      %dma_start3A_20 = tpu.memref_slice %arg2[%dma_start3A, %dma_start3A_19] : memref<10000x32xf32, #tpu.memory_space<hbm>> -> memref<10000x32xf32, #tpu.memory_space<hbm>>
      tpu.enqueue_indirect_dma source(%dma_start3A_20 : memref<10000x32xf32, #tpu.memory_space<hbm>>) target(%arg6 : memref<128x32xf32, #tpu.memory_space<vmem>>) offsets(%arg5 : memref<128xi32, #tpu.memory_space<vmem>>) semaphore(%arg7 : memref<!tpu.dma_semaphore, #tpu.memory_space<semaphore_mem>>)
      %dma_wait3A = arith.constant 0 : i32
      %dma_wait3A_21 = arith.constant 0 : i32
      %dma_wait3A_22 = tpu.memref_slice %arg2[%dma_wait3A, %dma_wait3A_21] : memref<10000x32xf32, #tpu.memory_space<hbm>> -> memref<10000x32xf32, #tpu.memory_space<hbm>>
      tpu.wait_indirect_dma semaphore(%arg7 : memref<!tpu.dma_semaphore, #tpu.memory_space<semaphore_mem>>) src(%dma_wait3A_22 : memref<10000x32xf32, #tpu.memory_space<hbm>>) dst(%arg6 : memref<128x32xf32, #tpu.memory_space<vmem>>)
      %mul3A_23 = arith.constant 128 : i32
      %mul3A_24 = arith.muli %add3A_18, %mul3A_23 : i32
      "tpu.region"() ({
        %run_scoped3A = tpu.sem_alloc : memref<!tpu.dma_semaphore, #tpu.memory_space<semaphore_mem>>
        %dma_start3A_25 = arith.constant 0 : i32
        %dma_start3A_26 = tpu.memref_slice %arg4[%mul3A_24, %dma_start3A_25] : memref<320000x32xf32, #tpu.memory_space<hbm>> -> memref<128x32xf32, #tpu.memory_space<hbm>>
        %dma_start3A_27 = arith.constant 0 : i32
        %dma_start3A_28 = tpu.memref_slice %arg4[%mul3A_24, %dma_start3A_27] : memref<320000x32xf32, #tpu.memory_space<hbm>> -> memref<128x32xf32, #tpu.memory_space<hbm>>
        tpu.enqueue_dma source(%arg6 : memref<128x32xf32, #tpu.memory_space<vmem>>) target(%dma_start3A_28 : memref<128x32xf32, #tpu.memory_space<hbm>>) target_semaphore(%run_scoped3A : memref<!tpu.dma_semaphore, #tpu.memory_space<semaphore_mem>>)
        %dma_wait3A_29 = arith.constant 0 : i32
        %dma_wait3A_30 = tpu.memref_slice %arg4[%mul3A_24, %dma_wait3A_29] : memref<320000x32xf32, #tpu.memory_space<hbm>> -> memref<128x32xf32, #tpu.memory_space<hbm>>
        %dma_wait3A_31 = arith.constant 0 : i32
        %dma_wait3A_32 = tpu.memref_slice %arg4[%mul3A_24, %dma_wait3A_31] : memref<320000x32xf32, #tpu.memory_space<hbm>> -> memref<128x32xf32, #tpu.memory_space<hbm>>
        tpu.wait_dma2 semaphore(%run_scoped3A : memref<!tpu.dma_semaphore, #tpu.memory_space<semaphore_mem>>) src(%arg6 : memref<128x32xf32, #tpu.memory_space<vmem>>) dst(%dma_wait3A_32 : memref<128x32xf32, #tpu.memory_space<hbm>>)
        tpu.yield
      }) : () -> ()
    }
    return
  }
}

#map = affine_map<(d0, d1) -> (0, 0)>
#map1 = affine_map<(d0, d1) -> (0, 0, 0)>
module attributes {stable_mosaic.version = 14 : i64} {
  func.func @_sc_scatter(%arg0: i32, %arg1: i32, %arg2: memref<320000x32xf32, #tpu.memory_space<hbm>>, %arg3: memref<2500x128xi32, #tpu.memory_space<hbm>>, %arg4: memref<10000x32xf32, #tpu.memory_space<hbm>>, %arg5: memref<2x10000x32xf32, #tpu.memory_space<hbm>>, %arg6: memref<79x128xi32, #tpu.memory_space<vmem>>, %arg7: memref<128x32xf32, #tpu.memory_space<vmem>>, %arg8: memref<10000x32xf32, #tpu.memory_space<vmem_shared>>, %arg9: memref<!tpu.dma_semaphore, #tpu.memory_space<semaphore_mem>>) attributes {dimension_semantics = [#tpu.dimension_semantics<core_parallel>, #tpu.dimension_semantics<subcore_parallel>], iteration_bounds = array<i64: 2, 16>, scalar_prefetch = 0 : i64, scratch_operands = 4 : i64, tpu.core_type = #tpu.core_type<sc_vector_subcore>, window_params = [{transform_indices = #map}, {transform_indices = #map}, {transform_indices = #map}, {transform_indices = #map1}]} {
    %mul3A = arith.constant 2 : i32
    %mul3A_0 = arith.muli %arg1, %mul3A : i32
    %add3A = arith.addi %mul3A_0, %arg0 : i32
    %mul3A_1 = arith.constant 78 : i32
    %mul3A_2 = arith.muli %add3A, %mul3A_1 : i32
    %min3A = arith.constant 4 : i32
    %min3A_3 = arith.minsi %add3A, %min3A : i32
    %add3A_4 = arith.addi %mul3A_2, %min3A_3 : i32
    %lt3A = arith.constant 4 : i32
    %lt3A_5 = arith.cmpi slt, %add3A, %lt3A : i32
    %convert_element_type3A = arith.extui %lt3A_5 : i1 to i32
    %add3A_6 = arith.constant 78 : i32
    %add3A_7 = arith.addi %add3A_6, %convert_element_type3A : i32
    %mul3A_8 = arith.constant 625 : i32
    %mul3A_9 = arith.muli %arg1, %mul3A_8 : i32
    %mul3A_10 = arith.constant 625 : i32
    %mul3A_11 = arith.muli %arg1, %mul3A_10 : i32
    "tpu.region"() ({
      %run_scoped3A = tpu.sem_alloc : memref<!tpu.dma_semaphore, #tpu.memory_space<semaphore_mem>>
      %dma_start3A = arith.constant 0 : i32
      %dma_start3A_29 = tpu.memref_slice %arg8[%mul3A_11, %dma_start3A] : memref<10000x32xf32, #tpu.memory_space<vmem_shared>> -> memref<625x32xf32, #tpu.memory_space<vmem_shared>>
      %dma_start3A_30 = arith.constant 0 : i32
      %dma_start3A_31 = tpu.memref_slice %arg4[%mul3A_9, %dma_start3A_30] : memref<10000x32xf32, #tpu.memory_space<hbm>> -> memref<625x32xf32, #tpu.memory_space<hbm>>
      tpu.enqueue_dma source(%dma_start3A_31 : memref<625x32xf32, #tpu.memory_space<hbm>>) target(%dma_start3A_29 : memref<625x32xf32, #tpu.memory_space<vmem_shared>>) target_semaphore(%run_scoped3A : memref<!tpu.dma_semaphore, #tpu.memory_space<semaphore_mem>>)
      %dma_wait3A = arith.constant 0 : i32
      %dma_wait3A_32 = tpu.memref_slice %arg8[%mul3A_11, %dma_wait3A] : memref<10000x32xf32, #tpu.memory_space<vmem_shared>> -> memref<625x32xf32, #tpu.memory_space<vmem_shared>>
      %dma_wait3A_33 = arith.constant 0 : i32
      %dma_wait3A_34 = tpu.memref_slice %arg4[%mul3A_9, %dma_wait3A_33] : memref<10000x32xf32, #tpu.memory_space<hbm>> -> memref<625x32xf32, #tpu.memory_space<hbm>>
      tpu.wait_dma2 semaphore(%run_scoped3A : memref<!tpu.dma_semaphore, #tpu.memory_space<semaphore_mem>>) src(%dma_wait3A_34 : memref<625x32xf32, #tpu.memory_space<hbm>>) dst(%dma_wait3A_32 : memref<625x32xf32, #tpu.memory_space<vmem_shared>>)
      tpu.yield
    }) : () -> ()
    %barrier3A = arith.constant 0 : index
    tpu.barrier barrier_id(%barrier3A)
    "tpu.region"() ({
      %run_scoped3A = tpu.sem_alloc : memref<!tpu.dma_semaphore, #tpu.memory_space<semaphore_mem>>
      %dma_start3A = arith.constant 0 : i32
      %dma_start3A_29 = arith.constant 0 : i32
      %dma_start3A_30 = tpu.memref_slice %arg6[%dma_start3A, %dma_start3A_29] : memref<79x128xi32, #tpu.memory_space<vmem>> -> memref<78x128xi32, #tpu.memory_space<vmem>>
      %dma_start3A_31 = arith.constant 0 : i32
      %dma_start3A_32 = tpu.memref_slice %arg3[%add3A_4, %dma_start3A_31] : memref<2500x128xi32, #tpu.memory_space<hbm>> -> memref<78x128xi32, #tpu.memory_space<hbm>>
      %dma_start3A_33 = arith.constant 0 : i32
      %dma_start3A_34 = arith.constant 0 : i32
      %dma_start3A_35 = tpu.memref_slice %arg6[%dma_start3A_33, %dma_start3A_34] : memref<79x128xi32, #tpu.memory_space<vmem>> -> memref<78x128xi32, #tpu.memory_space<vmem>>
      %dma_start3A_36 = arith.constant 0 : i32
      %dma_start3A_37 = tpu.memref_slice %arg3[%add3A_4, %dma_start3A_36] : memref<2500x128xi32, #tpu.memory_space<hbm>> -> memref<78x128xi32, #tpu.memory_space<hbm>>
      tpu.enqueue_dma source(%dma_start3A_37 : memref<78x128xi32, #tpu.memory_space<hbm>>) target(%dma_start3A_35 : memref<78x128xi32, #tpu.memory_space<vmem>>) target_semaphore(%run_scoped3A : memref<!tpu.dma_semaphore, #tpu.memory_space<semaphore_mem>>)
      %dma_wait3A = arith.constant 0 : i32
      %dma_wait3A_38 = arith.constant 0 : i32
      %dma_wait3A_39 = tpu.memref_slice %arg6[%dma_wait3A, %dma_wait3A_38] : memref<79x128xi32, #tpu.memory_space<vmem>> -> memref<78x128xi32, #tpu.memory_space<vmem>>
      %dma_wait3A_40 = arith.constant 0 : i32
      %dma_wait3A_41 = tpu.memref_slice %arg3[%add3A_4, %dma_wait3A_40] : memref<2500x128xi32, #tpu.memory_space<hbm>> -> memref<78x128xi32, #tpu.memory_space<hbm>>
      %dma_wait3A_42 = arith.constant 0 : i32
      %dma_wait3A_43 = arith.constant 0 : i32
      %dma_wait3A_44 = tpu.memref_slice %arg6[%dma_wait3A_42, %dma_wait3A_43] : memref<79x128xi32, #tpu.memory_space<vmem>> -> memref<78x128xi32, #tpu.memory_space<vmem>>
      %dma_wait3A_45 = arith.constant 0 : i32
      %dma_wait3A_46 = tpu.memref_slice %arg3[%add3A_4, %dma_wait3A_45] : memref<2500x128xi32, #tpu.memory_space<hbm>> -> memref<78x128xi32, #tpu.memory_space<hbm>>
      tpu.wait_dma2 semaphore(%run_scoped3A : memref<!tpu.dma_semaphore, #tpu.memory_space<semaphore_mem>>) src(%dma_wait3A_46 : memref<78x128xi32, #tpu.memory_space<hbm>>) dst(%dma_wait3A_44 : memref<78x128xi32, #tpu.memory_space<vmem>>)
      tpu.yield
    }) : () -> ()
    %gt3A = arith.constant 78 : i32
    %gt3A_12 = arith.cmpi sgt, %add3A_7, %gt3A : i32
    %convert_element_type3A_13 = arith.extui %gt3A_12 : i1 to i32
    %cond3A = arith.constant 0 : i32
    %cond3A_14 = arith.cmpi ne, %convert_element_type3A_13, %cond3A : i32
    scf.if %cond3A_14 {
      %add3A_29 = arith.constant 78 : i32
      %add3A_30 = arith.addi %add3A_4, %add3A_29 : i32
      "tpu.region"() ({
        %run_scoped3A = tpu.sem_alloc : memref<!tpu.dma_semaphore, #tpu.memory_space<semaphore_mem>>
        %dma_start3A = arith.constant 78 : i32
        %dma_start3A_31 = arith.constant 0 : i32
        %dma_start3A_32 = tpu.memref_slice %arg6[%dma_start3A, %dma_start3A_31] : memref<79x128xi32, #tpu.memory_space<vmem>> -> memref<1x128xi32, #tpu.memory_space<vmem>>
        %dma_start3A_33 = arith.constant 0 : i32
        %dma_start3A_34 = tpu.memref_slice %arg3[%add3A_30, %dma_start3A_33] : memref<2500x128xi32, #tpu.memory_space<hbm>> -> memref<1x128xi32, #tpu.memory_space<hbm>>
        %dma_start3A_35 = arith.constant 78 : i32
        %dma_start3A_36 = arith.constant 0 : i32
        %dma_start3A_37 = tpu.memref_slice %arg6[%dma_start3A_35, %dma_start3A_36] : memref<79x128xi32, #tpu.memory_space<vmem>> -> memref<1x128xi32, #tpu.memory_space<vmem>>
        %dma_start3A_38 = arith.constant 0 : i32
        %dma_start3A_39 = tpu.memref_slice %arg3[%add3A_30, %dma_start3A_38] : memref<2500x128xi32, #tpu.memory_space<hbm>> -> memref<1x128xi32, #tpu.memory_space<hbm>>
        tpu.enqueue_dma source(%dma_start3A_39 : memref<1x128xi32, #tpu.memory_space<hbm>>) target(%dma_start3A_37 : memref<1x128xi32, #tpu.memory_space<vmem>>) target_semaphore(%run_scoped3A : memref<!tpu.dma_semaphore, #tpu.memory_space<semaphore_mem>>)
        %dma_wait3A = arith.constant 78 : i32
        %dma_wait3A_40 = arith.constant 0 : i32
        %dma_wait3A_41 = tpu.memref_slice %arg6[%dma_wait3A, %dma_wait3A_40] : memref<79x128xi32, #tpu.memory_space<vmem>> -> memref<1x128xi32, #tpu.memory_space<vmem>>
        %dma_wait3A_42 = arith.constant 0 : i32
        %dma_wait3A_43 = tpu.memref_slice %arg3[%add3A_30, %dma_wait3A_42] : memref<2500x128xi32, #tpu.memory_space<hbm>> -> memref<1x128xi32, #tpu.memory_space<hbm>>
        %dma_wait3A_44 = arith.constant 78 : i32
        %dma_wait3A_45 = arith.constant 0 : i32
        %dma_wait3A_46 = tpu.memref_slice %arg6[%dma_wait3A_44, %dma_wait3A_45] : memref<79x128xi32, #tpu.memory_space<vmem>> -> memref<1x128xi32, #tpu.memory_space<vmem>>
        %dma_wait3A_47 = arith.constant 0 : i32
        %dma_wait3A_48 = tpu.memref_slice %arg3[%add3A_30, %dma_wait3A_47] : memref<2500x128xi32, #tpu.memory_space<hbm>> -> memref<1x128xi32, #tpu.memory_space<hbm>>
        tpu.wait_dma2 semaphore(%run_scoped3A : memref<!tpu.dma_semaphore, #tpu.memory_space<semaphore_mem>>) src(%dma_wait3A_48 : memref<1x128xi32, #tpu.memory_space<hbm>>) dst(%dma_wait3A_46 : memref<1x128xi32, #tpu.memory_space<vmem>>)
        tpu.yield
      }) : () -> ()
    } else {
    }
    %while3A = arith.constant 0 : i32
    %while3A_15 = arith.constant 0 : i32
    %while3A_16 = arith.subi %add3A_7, %while3A_15 : i32
    %while3A_17 = arith.addi %while3A_15, %while3A_16 : i32
    %while3A_18 = arith.constant 1 : i32
    %while3A_19 = arith.divsi %while3A_16, %while3A_18 : i32
    %while3A_20 = arith.muli %while3A_19, %while3A_18 : i32
    %while3A_21 = arith.addi %while3A_15, %while3A_20 : i32
    %while3A_22 = arith.constant 1 : i32
    scf.for %while3A_29 = %while3A_15 to %while3A_21 step %while3A_22  : i32 {
      %add3A_30 = arith.addi %add3A_4, %while3A_29 : i32
      %mul3A_31 = arith.constant 128 : i32
      %mul3A_32 = arith.muli %add3A_30, %mul3A_31 : i32
      "tpu.region"() ({
        %run_scoped3A = tpu.sem_alloc : memref<!tpu.dma_semaphore, #tpu.memory_space<semaphore_mem>>
        %dma_start3A = arith.constant 0 : i32
        %dma_start3A_33 = tpu.memref_slice %arg2[%mul3A_32, %dma_start3A] : memref<320000x32xf32, #tpu.memory_space<hbm>> -> memref<128x32xf32, #tpu.memory_space<hbm>>
        %dma_start3A_34 = arith.constant 0 : i32
        %dma_start3A_35 = tpu.memref_slice %arg2[%mul3A_32, %dma_start3A_34] : memref<320000x32xf32, #tpu.memory_space<hbm>> -> memref<128x32xf32, #tpu.memory_space<hbm>>
        tpu.enqueue_dma source(%dma_start3A_35 : memref<128x32xf32, #tpu.memory_space<hbm>>) target(%arg7 : memref<128x32xf32, #tpu.memory_space<vmem>>) target_semaphore(%run_scoped3A : memref<!tpu.dma_semaphore, #tpu.memory_space<semaphore_mem>>)
        %dma_wait3A = arith.constant 0 : i32
        %dma_wait3A_36 = tpu.memref_slice %arg2[%mul3A_32, %dma_wait3A] : memref<320000x32xf32, #tpu.memory_space<hbm>> -> memref<128x32xf32, #tpu.memory_space<hbm>>
        %dma_wait3A_37 = arith.constant 0 : i32
        %dma_wait3A_38 = tpu.memref_slice %arg2[%mul3A_32, %dma_wait3A_37] : memref<320000x32xf32, #tpu.memory_space<hbm>> -> memref<128x32xf32, #tpu.memory_space<hbm>>
        tpu.wait_dma2 semaphore(%run_scoped3A : memref<!tpu.dma_semaphore, #tpu.memory_space<semaphore_mem>>) src(%dma_wait3A_38 : memref<128x32xf32, #tpu.memory_space<hbm>>) dst(%arg7 : memref<128x32xf32, #tpu.memory_space<vmem>>)
        tpu.yield
      }) : () -> ()
      "tpu.region"() ({
        %run_scoped3A = tpu.sem_alloc : memref<!tpu.dma_semaphore, #tpu.memory_space<semaphore_mem>>
        %dma_start3A = arith.constant 0 : i32
        %dma_start3A_33 = tpu.memref_slice %arg6[%while3A_29, %dma_start3A] : memref<79x128xi32, #tpu.memory_space<vmem>> -> memref<1x128xi32, #tpu.memory_space<vmem>>
        %dma_start3A_34 = tpu.memref_squeeze %dma_start3A_33 : memref<1x128xi32, #tpu.memory_space<vmem>> -> memref<128xi32, #tpu.memory_space<vmem>>
        %dma_start3A_35 = arith.constant 0 : i32
        %dma_start3A_36 = arith.constant 0 : i32
        %dma_start3A_37 = tpu.memref_slice %arg8[%dma_start3A_35, %dma_start3A_36] : memref<10000x32xf32, #tpu.memory_space<vmem_shared>> -> memref<10000x32xf32, #tpu.memory_space<vmem_shared>>
        tpu.enqueue_indirect_dma source(%arg7 : memref<128x32xf32, #tpu.memory_space<vmem>>) target(%dma_start3A_37 : memref<10000x32xf32, #tpu.memory_space<vmem_shared>>) offsets(%dma_start3A_34 : memref<128xi32, #tpu.memory_space<vmem>>) semaphore(%run_scoped3A : memref<!tpu.dma_semaphore, #tpu.memory_space<semaphore_mem>>) {add = true}
        %dma_wait3A = arith.constant 0 : i32
        %dma_wait3A_38 = tpu.memref_slice %arg6[%while3A_29, %dma_wait3A] : memref<79x128xi32, #tpu.memory_space<vmem>> -> memref<1x128xi32, #tpu.memory_space<vmem>>
        %dma_wait3A_39 = tpu.memref_squeeze %dma_wait3A_38 : memref<1x128xi32, #tpu.memory_space<vmem>> -> memref<128xi32, #tpu.memory_space<vmem>>
        %dma_wait3A_40 = arith.constant 0 : i32
        %dma_wait3A_41 = arith.constant 0 : i32
        %dma_wait3A_42 = tpu.memref_slice %arg8[%dma_wait3A_40, %dma_wait3A_41] : memref<10000x32xf32, #tpu.memory_space<vmem_shared>> -> memref<10000x32xf32, #tpu.memory_space<vmem_shared>>
        tpu.wait_indirect_dma semaphore(%run_scoped3A : memref<!tpu.dma_semaphore, #tpu.memory_space<semaphore_mem>>) src(%arg7 : memref<128x32xf32, #tpu.memory_space<vmem>>) dst(%dma_wait3A_42 : memref<10000x32xf32, #tpu.memory_space<vmem_shared>>)
        tpu.yield
      }) : () -> ()
    }
    %while3A_23 = arith.constant 1 : i32
    scf.for %while3A_29 = %while3A_21 to %while3A_17 step %while3A_23  : i32 {
      %add3A_30 = arith.addi %add3A_4, %while3A_29 : i32
      %mul3A_31 = arith.constant 128 : i32
      %mul3A_32 = arith.muli %add3A_30, %mul3A_31 : i32
      "tpu.region"() ({
        %run_scoped3A = tpu.sem_alloc : memref<!tpu.dma_semaphore, #tpu.memory_space<semaphore_mem>>
        %dma_start3A = arith.constant 0 : i32
        %dma_start3A_33 = tpu.memref_slice %arg2[%mul3A_32, %dma_start3A] : memref<320000x32xf32, #tpu.memory_space<hbm>> -> memref<128x32xf32, #tpu.memory_space<hbm>>
        %dma_start3A_34 = arith.constant 0 : i32
        %dma_start3A_35 = tpu.memref_slice %arg2[%mul3A_32, %dma_start3A_34] : memref<320000x32xf32, #tpu.memory_space<hbm>> -> memref<128x32xf32, #tpu.memory_space<hbm>>
        tpu.enqueue_dma source(%dma_start3A_35 : memref<128x32xf32, #tpu.memory_space<hbm>>) target(%arg7 : memref<128x32xf32, #tpu.memory_space<vmem>>) target_semaphore(%run_scoped3A : memref<!tpu.dma_semaphore, #tpu.memory_space<semaphore_mem>>)
        %dma_wait3A = arith.constant 0 : i32
        %dma_wait3A_36 = tpu.memref_slice %arg2[%mul3A_32, %dma_wait3A] : memref<320000x32xf32, #tpu.memory_space<hbm>> -> memref<128x32xf32, #tpu.memory_space<hbm>>
        %dma_wait3A_37 = arith.constant 0 : i32
        %dma_wait3A_38 = tpu.memref_slice %arg2[%mul3A_32, %dma_wait3A_37] : memref<320000x32xf32, #tpu.memory_space<hbm>> -> memref<128x32xf32, #tpu.memory_space<hbm>>
        tpu.wait_dma2 semaphore(%run_scoped3A : memref<!tpu.dma_semaphore, #tpu.memory_space<semaphore_mem>>) src(%dma_wait3A_38 : memref<128x32xf32, #tpu.memory_space<hbm>>) dst(%arg7 : memref<128x32xf32, #tpu.memory_space<vmem>>)
        tpu.yield
      }) : () -> ()
      "tpu.region"() ({
        %run_scoped3A = tpu.sem_alloc : memref<!tpu.dma_semaphore, #tpu.memory_space<semaphore_mem>>
        %dma_start3A = arith.constant 0 : i32
        %dma_start3A_33 = tpu.memref_slice %arg6[%while3A_29, %dma_start3A] : memref<79x128xi32, #tpu.memory_space<vmem>> -> memref<1x128xi32, #tpu.memory_space<vmem>>
        %dma_start3A_34 = tpu.memref_squeeze %dma_start3A_33 : memref<1x128xi32, #tpu.memory_space<vmem>> -> memref<128xi32, #tpu.memory_space<vmem>>
        %dma_start3A_35 = arith.constant 0 : i32
        %dma_start3A_36 = arith.constant 0 : i32
        %dma_start3A_37 = tpu.memref_slice %arg8[%dma_start3A_35, %dma_start3A_36] : memref<10000x32xf32, #tpu.memory_space<vmem_shared>> -> memref<10000x32xf32, #tpu.memory_space<vmem_shared>>
        tpu.enqueue_indirect_dma source(%arg7 : memref<128x32xf32, #tpu.memory_space<vmem>>) target(%dma_start3A_37 : memref<10000x32xf32, #tpu.memory_space<vmem_shared>>) offsets(%dma_start3A_34 : memref<128xi32, #tpu.memory_space<vmem>>) semaphore(%run_scoped3A : memref<!tpu.dma_semaphore, #tpu.memory_space<semaphore_mem>>) {add = true}
        %dma_wait3A = arith.constant 0 : i32
        %dma_wait3A_38 = tpu.memref_slice %arg6[%while3A_29, %dma_wait3A] : memref<79x128xi32, #tpu.memory_space<vmem>> -> memref<1x128xi32, #tpu.memory_space<vmem>>
        %dma_wait3A_39 = tpu.memref_squeeze %dma_wait3A_38 : memref<1x128xi32, #tpu.memory_space<vmem>> -> memref<128xi32, #tpu.memory_space<vmem>>
        %dma_wait3A_40 = arith.constant 0 : i32
        %dma_wait3A_41 = arith.constant 0 : i32
        %dma_wait3A_42 = tpu.memref_slice %arg8[%dma_wait3A_40, %dma_wait3A_41] : memref<10000x32xf32, #tpu.memory_space<vmem_shared>> -> memref<10000x32xf32, #tpu.memory_space<vmem_shared>>
        tpu.wait_indirect_dma semaphore(%run_scoped3A : memref<!tpu.dma_semaphore, #tpu.memory_space<semaphore_mem>>) src(%arg7 : memref<128x32xf32, #tpu.memory_space<vmem>>) dst(%dma_wait3A_42 : memref<10000x32xf32, #tpu.memory_space<vmem_shared>>)
        tpu.yield
      }) : () -> ()
    }
    %barrier3A_24 = arith.constant 0 : index
    tpu.barrier barrier_id(%barrier3A_24)
    %mul3A_25 = arith.constant 625 : i32
    %mul3A_26 = arith.muli %arg1, %mul3A_25 : i32
    %mul3A_27 = arith.constant 625 : i32
    %mul3A_28 = arith.muli %arg1, %mul3A_27 : i32
    "tpu.region"() ({
      %run_scoped3A = tpu.sem_alloc : memref<!tpu.dma_semaphore, #tpu.memory_space<semaphore_mem>>
      %dma_start3A = arith.constant 0 : i32
      %dma_start3A_29 = tpu.memref_slice %arg5[%arg0, %mul3A_28, %dma_start3A] : memref<2x10000x32xf32, #tpu.memory_space<hbm>> -> memref<1x625x32xf32, #tpu.memory_space<hbm>>
      %dma_start3A_30 = tpu.memref_squeeze %dma_start3A_29 : memref<1x625x32xf32, #tpu.memory_space<hbm>> -> memref<625x32xf32, #tpu.memory_space<hbm>>
      %dma_start3A_31 = arith.constant 0 : i32
      %dma_start3A_32 = tpu.memref_slice %arg8[%mul3A_26, %dma_start3A_31] : memref<10000x32xf32, #tpu.memory_space<vmem_shared>> -> memref<625x32xf32, #tpu.memory_space<vmem_shared>>
      tpu.enqueue_dma source(%dma_start3A_32 : memref<625x32xf32, #tpu.memory_space<vmem_shared>>) target(%dma_start3A_30 : memref<625x32xf32, #tpu.memory_space<hbm>>) target_semaphore(%run_scoped3A : memref<!tpu.dma_semaphore, #tpu.memory_space<semaphore_mem>>)
      %dma_wait3A = arith.constant 0 : i32
      %dma_wait3A_33 = tpu.memref_slice %arg5[%arg0, %mul3A_28, %dma_wait3A] : memref<2x10000x32xf32, #tpu.memory_space<hbm>> -> memref<1x625x32xf32, #tpu.memory_space<hbm>>
      %dma_wait3A_34 = tpu.memref_squeeze %dma_wait3A_33 : memref<1x625x32xf32, #tpu.memory_space<hbm>> -> memref<625x32xf32, #tpu.memory_space<hbm>>
      %dma_wait3A_35 = arith.constant 0 : i32
      %dma_wait3A_36 = tpu.memref_slice %arg8[%mul3A_26, %dma_wait3A_35] : memref<10000x32xf32, #tpu.memory_space<vmem_shared>> -> memref<625x32xf32, #tpu.memory_space<vmem_shared>>
      tpu.wait_dma2 semaphore(%run_scoped3A : memref<!tpu.dma_semaphore, #tpu.memory_space<semaphore_mem>>) src(%dma_wait3A_36 : memref<625x32xf32, #tpu.memory_space<vmem_shared>>) dst(%dma_wait3A_34 : memref<625x32xf32, #tpu.memory_space<hbm>>)
      tpu.yield
    }) : () -> ()
    return
  }
}

module attributes {stable_mosaic.version = 14 : i64} {
  func.func @_node_body(%arg0: memref<10000x128xf32, #tpu.memory_space<vmem>>, %arg1: memref<128x32xf32, #tpu.memory_space<vmem>>, %arg2: memref<128x32xf32, #tpu.memory_space<vmem>>, %arg3: memref<1x32xf32, #tpu.memory_space<vmem>>, %arg4: memref<10000x32xf32, #tpu.memory_space<vmem>>, %arg5: memref<10000x32xf32, #tpu.memory_space<vmem>>) attributes {dimension_semantics = [], scalar_prefetch = 0 : i64, scratch_operands = 0 : i64, tpu.core_type = #tpu.core_type<tc>} {
    %get3A = arith.constant 0 : index
    %get3A_0 = arith.constant 0 : index
    %get3A_1 = vector.load %arg0[%get3A, %get3A_0] : memref<10000x128xf32, #tpu.memory_space<vmem>>, vector<10000x128xf32>
    %get3A_2 = arith.constant 0 : index
    %get3A_3 = arith.constant 0 : index
    %get3A_4 = vector.load %arg1[%get3A_2, %get3A_3] : memref<128x32xf32, #tpu.memory_space<vmem>>, vector<128x32xf32>
    %dot_general3A = arith.constant dense<0.000000e+00> : vector<10000x32xf32>
    %dot_general3A_5 = tpu.matmul %get3A_1, %get3A_4, %dot_general3A {dimension_numbers = #tpu.dot_dimension_numbers<[1], [0], [0], [1], [0, 0, 1, 1], [], []>, transpose_lhs_hint = false} : vector<10000x128xf32>, vector<128x32xf32>, vector<10000x32xf32> -> vector<10000x32xf32>
    %swap3A = arith.constant 0 : index
    %swap3A_6 = arith.constant 0 : index
    %swap3A_7 = vector.load %arg4[%swap3A, %swap3A_6] : memref<10000x32xf32, #tpu.memory_space<vmem>>, vector<10000x32xf32>
    tpu.vector_store %arg4[%swap3A, %swap3A_6], %dot_general3A_5 {strides = array<i32>} : memref<10000x32xf32, #tpu.memory_space<vmem>>, vector<10000x32xf32>,
    %get3A_8 = arith.constant 0 : index
    %get3A_9 = arith.constant 0 : index
    %get3A_10 = vector.load %arg2[%get3A_8, %get3A_9] : memref<128x32xf32, #tpu.memory_space<vmem>>, vector<128x32xf32>
    %dot_general3A_11 = arith.constant dense<0.000000e+00> : vector<10000x32xf32>
    %dot_general3A_12 = tpu.matmul %get3A_1, %get3A_10, %dot_general3A_11 {dimension_numbers = #tpu.dot_dimension_numbers<[1], [0], [0], [1], [0, 0, 1, 1], [], []>, transpose_lhs_hint = false} : vector<10000x128xf32>, vector<128x32xf32>, vector<10000x32xf32> -> vector<10000x32xf32>
    %get3A_13 = arith.constant 0 : index
    %get3A_14 = arith.constant 0 : index
    %get3A_15 = vector.load %arg3[%get3A_13, %get3A_14] : memref<1x32xf32, #tpu.memory_space<vmem>>, vector<1x32xf32>
    %add3A = vector.broadcast %get3A_15 : vector<1x32xf32> to vector<10000x32xf32>
    %add3A_16 = arith.addf %dot_general3A_12, %add3A : vector<10000x32xf32>
    %swap3A_17 = arith.constant 0 : index
    %swap3A_18 = arith.constant 0 : index
    %swap3A_19 = vector.load %arg5[%swap3A_17, %swap3A_18] : memref<10000x32xf32, #tpu.memory_space<vmem>>, vector<10000x32xf32>
    tpu.vector_store %arg5[%swap3A_17, %swap3A_18], %add3A_16 {strides = array<i32>} : memref<10000x32xf32, #tpu.memory_space<vmem>>, vector<10000x32xf32>,
    return
  }
}

module attributes {stable_mosaic.version = 14 : i64} {
  func.func @_edge_body(%arg0: i32, %arg1: memref<8000x32xf32, #tpu.memory_space<vmem>>, %arg2: memref<8000x16xf32, #tpu.memory_space<vmem>>, %arg3: memref<16x32xf32, #tpu.memory_space<vmem>>, %arg4: memref<1x32xf32, #tpu.memory_space<vmem>>, %arg5: memref<32x32xf32, #tpu.memory_space<vmem>>, %arg6: memref<1x32xf32, #tpu.memory_space<vmem>>, %arg7: memref<8000x32xf32, #tpu.memory_space<vmem>>) attributes {dimension_semantics = [#tpu.dimension_semantics<arbitrary>], iteration_bounds = array<i64: 40>, scalar_prefetch = 0 : i64, scratch_operands = 0 : i64, tpu.core_type = #tpu.core_type<tc>, window_params = [{transform_indices = @transform_0, window_bounds = array<i64: 8000, 32>}, {transform_indices = @transform_1, window_bounds = array<i64: 8000, 16>}, {pipeline_mode = #tpu.pipeline_mode<synchronous>, transform_indices = @transform_2, window_bounds = array<i64: 16, 32>}, {pipeline_mode = #tpu.pipeline_mode<synchronous>, transform_indices = @transform_3, window_bounds = array<i64: 1, 32>}, {pipeline_mode = #tpu.pipeline_mode<synchronous>, transform_indices = @transform_4, window_bounds = array<i64: 32, 32>}, {pipeline_mode = #tpu.pipeline_mode<synchronous>, transform_indices = @transform_5, window_bounds = array<i64: 1, 32>}, {transform_indices = @transform_6, window_bounds = array<i64: 8000, 32>}]} {
    %get3A = arith.constant 0 : index
    %get3A_0 = arith.constant 0 : index
    %get3A_1 = vector.load %arg1[%get3A, %get3A_0] : memref<8000x32xf32, #tpu.memory_space<vmem>>, vector<8000x32xf32>
    %get3A_2 = arith.constant 0 : index
    %get3A_3 = arith.constant 0 : index
    %get3A_4 = vector.load %arg2[%get3A_2, %get3A_3] : memref<8000x16xf32, #tpu.memory_space<vmem>>, vector<8000x16xf32>
    %get3A_5 = arith.constant 0 : index
    %get3A_6 = arith.constant 0 : index
    %get3A_7 = vector.load %arg3[%get3A_5, %get3A_6] : memref<16x32xf32, #tpu.memory_space<vmem>>, vector<16x32xf32>
    %dot_general3A = arith.constant dense<0.000000e+00> : vector<8000x32xf32>
    %dot_general3A_8 = tpu.matmul %get3A_4, %get3A_7, %dot_general3A {dimension_numbers = #tpu.dot_dimension_numbers<[1], [0], [0], [1], [0, 0, 1, 1], [], []>, transpose_lhs_hint = false} : vector<8000x16xf32>, vector<16x32xf32>, vector<8000x32xf32> -> vector<8000x32xf32>
    %add3A = arith.addf %get3A_1, %dot_general3A_8 : vector<8000x32xf32>
    %get3A_9 = arith.constant 0 : index
    %get3A_10 = arith.constant 0 : index
    %get3A_11 = vector.load %arg4[%get3A_9, %get3A_10] : memref<1x32xf32, #tpu.memory_space<vmem>>, vector<1x32xf32>
    %add3A_12 = vector.broadcast %get3A_11 : vector<1x32xf32> to vector<8000x32xf32>
    %add3A_13 = arith.addf %add3A, %add3A_12 : vector<8000x32xf32>
    %max3A = arith.constant 0.000000e+00 : f32
    %max3A_14 = vector.broadcast %max3A : f32 to vector<8000x32xf32>
    %max3A_15 = arith.maximumf %add3A_13, %max3A_14 : vector<8000x32xf32>
    %get3A_16 = arith.constant 0 : index
    %get3A_17 = arith.constant 0 : index
    %get3A_18 = vector.load %arg5[%get3A_16, %get3A_17] : memref<32x32xf32, #tpu.memory_space<vmem>>, vector<32x32xf32>
    %dot_general3A_19 = arith.constant dense<0.000000e+00> : vector<8000x32xf32>
    %dot_general3A_20 = tpu.matmul %max3A_15, %get3A_18, %dot_general3A_19 {dimension_numbers = #tpu.dot_dimension_numbers<[1], [0], [0], [1], [0, 0, 1, 1], [], []>, transpose_lhs_hint = false} : vector<8000x32xf32>, vector<32x32xf32>, vector<8000x32xf32> -> vector<8000x32xf32>
    %get3A_21 = arith.constant 0 : index
    %get3A_22 = arith.constant 0 : index
    %get3A_23 = vector.load %arg6[%get3A_21, %get3A_22] : memref<1x32xf32, #tpu.memory_space<vmem>>, vector<1x32xf32>
    %add3A_24 = vector.broadcast %get3A_23 : vector<1x32xf32> to vector<8000x32xf32>
    %add3A_25 = arith.addf %dot_general3A_20, %add3A_24 : vector<8000x32xf32>
    %swap3A = arith.constant 0 : index
    %swap3A_26 = arith.constant 0 : index
    %swap3A_27 = vector.load %arg7[%swap3A, %swap3A_26] : memref<8000x32xf32, #tpu.memory_space<vmem>>, vector<8000x32xf32>
    tpu.vector_store %arg7[%swap3A, %swap3A_26], %add3A_25 {strides = array<i32>} : memref<8000x32xf32, #tpu.memory_space<vmem>>, vector<8000x32xf32>,
    return
  }
  func.func @transform_0(%arg0: i32) -> (i32, i32) {
    %c0_i32 = arith.constant 0 : i32
    %c0_i32_0 = arith.constant 0 : i32
    return %arg0, %c0_i32 : i32, i32
  }
  func.func @transform_1(%arg0: i32) -> (i32, i32) {
    %c0_i32 = arith.constant 0 : i32
    %c0_i32_0 = arith.constant 0 : i32
    return %arg0, %c0_i32 : i32, i32
  }
  func.func @transform_2(%arg0: i32) -> (i32, i32) {
    %c0_i32 = arith.constant 0 : i32
    %c0_i32_0 = arith.constant 0 : i32
    %c0_i32_1 = arith.constant 0 : i32
    return %c0_i32, %c0_i32_0 : i32, i32
  }
  func.func @transform_3(%arg0: i32) -> (i32, i32) {
    %c0_i32 = arith.constant 0 : i32
    %c0_i32_0 = arith.constant 0 : i32
    %c0_i32_1 = arith.constant 0 : i32
    return %c0_i32, %c0_i32_0 : i32, i32
  }
  func.func @transform_4(%arg0: i32) -> (i32, i32) {
    %c0_i32 = arith.constant 0 : i32
    %c0_i32_0 = arith.constant 0 : i32
    %c0_i32_1 = arith.constant 0 : i32
    return %c0_i32, %c0_i32_0 : i32, i32
  }
  func.func @transform_5(%arg0: i32) -> (i32, i32) {
    %c0_i32 = arith.constant 0 : i32
    %c0_i32_0 = arith.constant 0 : i32
    %c0_i32_1 = arith.constant 0 : i32
    return %c0_i32, %c0_i32_0 : i32, i32
  }
  func.func @transform_6(%arg0: i32) -> (i32, i32) {
    %c0_i32 = arith.constant 0 : i32
    %c0_i32_0 = arith.constant 0 : i32
    return %arg0, %c0_i32 : i32, i32
  }
}

module attributes {stable_mosaic.version = 14 : i64} {
  func.func @_update_body(%arg0: memref<10000x32xf32, #tpu.memory_space<vmem>>, %arg1: memref<2x10000x32xf32, #tpu.memory_space<vmem>>, %arg2: memref<32x32xf32, #tpu.memory_space<vmem>>, %arg3: memref<32x32xf32, #tpu.memory_space<vmem>>, %arg4: memref<1x32xf32, #tpu.memory_space<vmem>>, %arg5: memref<10000x32xf32, #tpu.memory_space<vmem>>) attributes {dimension_semantics = [], scalar_prefetch = 0 : i64, scratch_operands = 0 : i64, tpu.core_type = #tpu.core_type<tc>} {
    %get3A = arith.constant 0 : index
    %get3A_0 = arith.constant 0 : index
    %get3A_1 = arith.constant 0 : index
    %get3A_2 = vector.load %arg1[%get3A, %get3A_0, %get3A_1] : memref<2x10000x32xf32, #tpu.memory_space<vmem>>, vector<1x10000x32xf32>
    %get3A_3 = vector.shape_cast %get3A_2 : vector<1x10000x32xf32> to vector<10000x32xf32>
    %get3A_4 = arith.constant 1 : index
    %get3A_5 = arith.constant 0 : index
    %get3A_6 = arith.constant 0 : index
    %get3A_7 = vector.load %arg1[%get3A_4, %get3A_5, %get3A_6] : memref<2x10000x32xf32, #tpu.memory_space<vmem>>, vector<1x10000x32xf32>
    %get3A_8 = vector.shape_cast %get3A_7 : vector<1x10000x32xf32> to vector<10000x32xf32>
    %add3A = arith.addf %get3A_3, %get3A_8 : vector<10000x32xf32>
    %get3A_9 = arith.constant 0 : index
    %get3A_10 = arith.constant 0 : index
    %get3A_11 = vector.load %arg0[%get3A_9, %get3A_10] : memref<10000x32xf32, #tpu.memory_space<vmem>>, vector<10000x32xf32>
    %get3A_12 = arith.constant 0 : index
    %get3A_13 = arith.constant 0 : index
    %get3A_14 = vector.load %arg2[%get3A_12, %get3A_13] : memref<32x32xf32, #tpu.memory_space<vmem>>, vector<32x32xf32>
    %dot_general3A = arith.constant dense<0.000000e+00> : vector<10000x32xf32>
    %dot_general3A_15 = tpu.matmul %add3A, %get3A_14, %dot_general3A {dimension_numbers = #tpu.dot_dimension_numbers<[1], [0], [0], [1], [0, 0, 1, 1], [], []>, transpose_lhs_hint = false} : vector<10000x32xf32>, vector<32x32xf32>, vector<10000x32xf32> -> vector<10000x32xf32>
    %add3A_16 = arith.addf %get3A_11, %dot_general3A_15 : vector<10000x32xf32>
    %max3A = arith.constant 0.000000e+00 : f32
    %max3A_17 = vector.broadcast %max3A : f32 to vector<10000x32xf32>
    %max3A_18 = arith.maximumf %add3A_16, %max3A_17 : vector<10000x32xf32>
    %get3A_19 = arith.constant 0 : index
    %get3A_20 = arith.constant 0 : index
    %get3A_21 = vector.load %arg3[%get3A_19, %get3A_20] : memref<32x32xf32, #tpu.memory_space<vmem>>, vector<32x32xf32>
    %dot_general3A_22 = arith.constant dense<0.000000e+00> : vector<10000x32xf32>
    %dot_general3A_23 = tpu.matmul %max3A_18, %get3A_21, %dot_general3A_22 {dimension_numbers = #tpu.dot_dimension_numbers<[1], [0], [0], [1], [0, 0, 1, 1], [], []>, transpose_lhs_hint = false} : vector<10000x32xf32>, vector<32x32xf32>, vector<10000x32xf32> -> vector<10000x32xf32>
    %get3A_24 = arith.constant 0 : index
    %get3A_25 = arith.constant 0 : index
    %get3A_26 = vector.load %arg4[%get3A_24, %get3A_25] : memref<1x32xf32, #tpu.memory_space<vmem>>, vector<1x32xf32>
    %add3A_27 = vector.broadcast %get3A_26 : vector<1x32xf32> to vector<10000x32xf32>
    %add3A_28 = arith.addf %dot_general3A_23, %add3A_27 : vector<10000x32xf32>
    %swap3A = arith.constant 0 : index
    %swap3A_29 = arith.constant 0 : index
    %swap3A_30 = vector.load %arg5[%swap3A, %swap3A_29] : memref<10000x32xf32, #tpu.memory_space<vmem>>, vector<10000x32xf32>
    tpu.vector_store %arg5[%swap3A, %swap3A_29], %add3A_28 {strides = array<i32>} : memref<10000x32xf32, #tpu.memory_space<vmem>>, vector<10000x32xf32>,
    return
  }
}

</mosaic_0001>

<sc_bundles>
// kernel: kernel.10.cloned.1.call-start
scs
__scs_entry_jumppad:
0x0: {  	(pc) =	sbr.rel $0x88, $3  }
0x1: {  	(tag) =	ssettag $0x0;
	lr =	simm.s32 $0x1  }
0x2: {  	[smem:$0x3F92] =	sst lr;
	_ =	strace $0xD0000000  }
0x3: {  	_ = 	snop  }
0x4: {  	_ = 	snop  }
0x5: {  	_ = 	snop  }
0x6: {  	_ = 	snop  }
0x7: {  	_ = 	snop  }
__scs_overlays_trampoline_lowered:
0x8: {  	[smem:$0x3FA1] =	sst s0  }
0x9: {  	[smem:$0x3FA2] =	sst s1  }
0xa: {  	[smem:$0x3FA3] =	sst s2  }
0xb: {  	[smem:$0x3FA4] =	sst s3  }
0xc: {  	[smem:$0x3FA5] =	sst s4  }
0xd: {  	[smem:$0x3FA6] =	sst s5  }
0xe: {  	[smem:$0x3FA7] =	sst s6  }
0xf: {  	[smem:$0x3FA8] =	sst s7  }
0x10: {  	[smem:$0x3FA9] =	sst s8  }
0x11: {  	[smem:$0x3FAA] =	sst s9;
	s0 =	simm.s32 @!p0 $0x0  }
0x12: {  	s1 =	sld [smem:$0x3F90];
	s0 =	simm.s32 @p0 $0x1  }
0x13: {  	[smem:$0x3FAB] =	sst s0;
	s0 =	simm.s32 @!p1 $0x0  }
0x14: {  	s2 =	sld [smem:$0x3F8F];
	s0 =	simm.s32 @p1 $0x1  }
0x15: {  	[smem:$0x3FAC] =	sst s0;
	s0 =	simm.s32 @!p2 $0x0  }
0x16: {  	s3 =	sld [smem:$0x3FDB];
	s0 =	simm.s32 @p2 $0x1  }
0x17: {  	s4 =	simm.s32 $0x1BF5;
	[smem:$0x3FAE] =	sst s0  }
0x18: {  	s0 =	sld [smem:$0x3F91];
	_ =	swait.ge [sflag:s4], $0x0  }
0x19: {  	s7 =	sld [smem:$0x3F92]  }
0x1a: {  	s8 =	sadd.s32 $0xFFFFE003, lr  }
0x1b: {  	s9 =	sadd.s32 $0xFFFFFEF7, lr;
	s5 =	simm.s32 $0xFFFFFFFF;
	p2 =	slt.u32 s8, $0xFFFFF086  }
0x1c: {  	p1 =	slt.u32 s9, $0xF7A;
	s5 =	simm.s32 @!p2 $0x0  }
0x1d: {  	s5 =	simm.s32 @p1 $0x1;
	p0 =	seq.s32 s7, s2  }
0x1e: {  	s7 =	smul.u32 @!p0 $0xF7A, s2;
	p2 =	seq.s32 @!p0 s5, $0x0  }
0x1f: {  	s9 =	smul.u32 $0xF7A, s1;
	s8 =	simm.s32 @!p0 $0x1BF5;
	p2 =	por !p2, p0  }
0x20: {  	[sflag:s8] =	ssyncset.s32 @!p0 $0xFFFFF086;
	s6 =	sadd.s32 @!p0 s3, s7;
	s7 =	simm.s32 @!p0 $0x108  }
0x21: {  	s3 =	sadd.s32 s3, s9;
	s6 =	sadd.s32 @!p0 $0x88, s6;
	s7 =	simm.s32 @p2 $0x1082  }
0x22: {  	[simem:s7], [sflag:s8] =	dma.local @!p0 [hbm:s6], $0xF7A  }
0x23: {  	s9 =	sor.u32 $0xD0000000, s2;
	s6 =	simm.s32 $0x108;
	_ =	swait.ge @!p0 [sflag:s8], $0x0  }
0x24: {  	s3 =	sadd.s32 $0x88, s3;
	s6 =	simm.s32 @!p1 $0x1082;
	[sflag:s4] =	ssyncset.s32 $0xFFFFF086  }
0x25: {  	[simem:s6], [sflag:s4] =	dma.local [hbm:s3], $0xF7A  }
0x26: {  	[smem:$0x3F92] =	sst s1;
	(tag) =	ssettag s2;
	_ =	strace s9  }
0x27: {  	s1 =	sld [smem:$0x3FA2]  }
0x28: {  	s2 =	sld [smem:$0x3FA3]  }
0x29: {  	s4 =	sld [smem:$0x3FA5]  }
0x2a: {  	p0 =	seq.s32 s5, $0x0;
	s5 =	sld [smem:$0x3FA6]  }
0x2b: {  	s6 =	sld [smem:$0x3FA7]  }
0x2c: {  	s7 =	sld [smem:$0x3FA8]  }
0x2d: {  	s3 =	simm.s32 $0x108;
	s8 =	sld [smem:$0x3FA9]  }
0x2e: {  	s3 =	simm.s32 @!p0 $0x1082;
	s9 =	sld [smem:$0x3FAA]  }
0x2f: {  	lr =	sadd.s32 s0, s3;
	s0 =	sld [smem:$0x3FA1]  }
0x30: {  	s3 =	sld [smem:$0x3FA4]  }
0x31: {  	[smem:$0x3FAD] =	sst s10  }
0x32: {  	s10 =	sld [smem:$0x3FAB];
	_ =	sdelay $0x3  }
0x33: {  	p0 =	seq.s32 s10, $0x1;
	s10 =	sld [smem:$0x3FAD];
	_ =	sdelay $0x3  }
0x34: {  	[smem:$0x3FAD] =	sst s10  }
0x35: {  	s10 =	sld [smem:$0x3FAC];
	_ =	sdelay $0x3  }
0x36: {  	p1 =	seq.s32 s10, $0x1;
	s10 =	sld [smem:$0x3FAD];
	_ =	sdelay $0x3  }
0x37: {  	[smem:$0x3FAD] =	sst s10  }
0x38: {  	s10 =	sld [smem:$0x3FAE]  }
0x39: {  	_ = 	snop;
	(pc) =	sbr.ind lr, $3  }
0x3a: {  	_ = 	snop  }
0x3b: {  	_ = 	snop  }
0x3c: {  	p2 =	seq.s32 s10, $0x1;
	s10 =	sld [smem:$0x3FAD]  }
0x3d: {  	_ =	shalt  }
0x3e: {  	_ =	shalt  }
0x3f: {  	_ =	shalt  }
0x40: {  	_ =	shalt  }
0x41: {  	_ =	shalt  }
0x42: {  	_ =	shalt  }
0x43: {  	_ =	shalt  }
0x44: {  	_ =	shalt  }
0x45: {  	_ =	shalt  }
0x46: {  	_ =	shalt  }
0x47: {  	_ =	shalt  }
0x48: {  	_ =	shalt  }
0x49: {  	_ =	shalt  }
0x4a: {  	_ =	shalt  }
0x4b: {  	_ =	shalt  }
0x4c: {  	_ =	shalt  }
0x4d: {  	_ =	shalt  }
0x4e: {  	_ =	shalt  }
0x4f: {  	_ =	shalt  }
0x50: {  	_ =	shalt  }
0x51: {  	_ =	shalt  }
0x52: {  	_ =	shalt  }
0x53: {  	_ =	shalt  }
0x54: {  	_ =	shalt  }
0x55: {  	_ =	shalt  }
0x56: {  	_ =	shalt  }
0x57: {  	_ =	shalt  }
0x58: {  	_ =	shalt  }
0x59: {  	_ =	shalt  }
0x5a: {  	_ =	shalt  }
0x5b: {  	_ =	shalt  }
0x5c: {  	_ =	shalt  }
0x5d: {  	_ =	shalt  }
0x5e: {  	_ =	shalt  }
0x5f: {  	_ =	shalt  }
0x60: {  	_ =	shalt  }
0x61: {  	_ =	shalt  }
0x62: {  	_ =	shalt  }
0x63: {  	_ =	shalt  }
0x64: {  	_ =	shalt  }
0x65: {  	_ =	shalt  }
0x66: {  	_ =	shalt  }
0x67: {  	_ =	shalt  }
0x68: {  	_ =	shalt  }
0x69: {  	_ =	shalt  }
0x6a: {  	_ =	shalt  }
0x6b: {  	_ =	shalt  }
0x6c: {  	_ =	shalt  }
0x6d: {  	_ =	shalt  }
0x6e: {  	_ =	shalt  }
0x6f: {  	_ =	shalt  }
0x70: {  	_ =	shalt  }
0x71: {  	_ =	shalt  }
0x72: {  	_ =	shalt  }
0x73: {  	_ =	shalt  }
0x74: {  	_ =	shalt  }
0x75: {  	_ =	shalt  }
0x76: {  	_ =	shalt  }
0x77: {  	_ =	shalt  }
0x78: {  	_ =	shalt  }
0x79: {  	_ =	shalt  }
0x7a: {  	_ =	shalt  }
0x7b: {  	_ =	shalt  }
0x7c: {  	_ =	shalt  }
0x7d: {  	_ =	shalt  }
0x7e: {  	_ =	shalt  }
0x7f: {  	_ =	shalt  }
0x80: {  	_ =	shalt  }
0x81: {  	_ =	shalt  }
0x82: {  	_ =	shalt  }
0x83: {  	_ =	shalt  }
0x84: {  	_ =	shalt  }
0x85: {  	_ =	shalt  }
0x86: {  	_ =	shalt  }
0x87: {  	_ =	shalt  }
.Lfunc_end0:
.L_simem_size_0:
called_computation.1_lowered:
.L_overlay_start_0:
0x88: {  	s2 =	sld [smem:$0x3FD9]  }
0x89: {  	s3 =	sld [smem:$0x3FFE];
	_ =	sdelay $0x1  }
0x8a: {  	s1 =	srdreg.scid  }
0x8b: {  	s0 =	sand.u32 $0x1, s1  }
0x8c: {  	s17 =	sshll.u32 s0, $0xA;
	s2 =	sadd.s32 s3, s2  }
0x8d: {  	s2 =	sadd.s32 s2, s17  }
0x8e: {  	[smem:$0x3FB9] =	sst s2  }
0x8f: {  	_ = 	snop  }
0x90: {  	s2 =	sld [smem:$0x3FD0];
	(tm) =	ssettm $0x1  }
0x91: {  	s18 =	sld [smem:$0x3FFB];
	_ =	sdelay $0x3  }
0x92: {  	_ =	strace s18  }
0x93: {  	s3 =	sld [smem:$0x3FFC];
	_ =	sdelay $0x3  }
0x94: {  	_ =	strace s3  }
0x95: {  	s3 =	sld [smem:$0x3FFD];
	_ =	sdelay $0x3  }
0x96: {  	_ =	strace s3  }
0x97: {  	_ =	strace $0x8FFFFFFF  }
0x98: {  	s19 =	sld [smem:$0x3FDB];
	_ =	sdelay $0x1  }
0x99: {  	s4 =	simm.s32 $_scs_section_size  }
0x9a: {  	s5 =	simm.s32 $_size__tile_overlayer_lowered;
	s6 =	simm.s32 $_tile_overlayer_lowered  }
0x9b: {  	s22 =	simm.s32 $0x1BFF;
	s21 =	sshll.u32 s6, $0x1;
	s3 =	sadd.s32 s4, s19  }
0x9c: {  	s7 =	simm.s32 $0x0;
	s20 =	sshll.u32 s5, $0x1;
	s5 =	sadd.s32 s21, s3  }
0x9d: {  	[timem:s7], [sflag:s22] =	dma.local [hbm:s5], s20  }
0x9e: {  	_ =	swait.ge [sflag:s22], s20  }
0x9f: {  	s4 =	ssub.s32 $0x0, s20;
	[sflag:s22] =	ssyncset.done $0x0  }
0xa0: {  	[sflag:s22] =	ssyncadd.s32 s4;
	_ =	sdelay $0x1  }
0xa1: {  	s23 =	simm.s32 $0x1B8B  }
0xa2: {  	_ =	swait.ge [sflag:s23], $0x1  }
0xa3: {  	[sflag:s23] =	ssyncset.done $0x0  }
0xa4: {  	s25 =	simm.s32 $0x1B8E;
	s24 =	sld [smem:$0x3FFE];
	[sflag:s23] =	ssyncadd.s32 $0xFFFFFFFF  }
0xa5: {  	s26 =	simm.s32 $execute0_lowered;
	[smem:$0x3FD2] =	sst s25  }
0xa6: {  	s5 =	sshll.u32 s26, $0x1;
	_ =	strace $0x80000049;
	[dreg:$0x1] =	wrdreg $0xFFFFFFFF  }
0xa7: {  	s28 =	simm.s32 $_size_execute0_lowered;
	s3 =	sadd.s32 s3, s5;
	[dreg:$0x0] =	wrdreg $0x0  }
0xa8: {  	s5 =	sshll.u32 s28, $0x1;
	[dreg:$0x2] =	wrdreg s3  }
0xa9: {  	[dreg:$0x3] =	wrdreg s5  }
0xaa: {  	[dreg:$0x4] =	wrdreg $0xC0  }
0xab: {  	_ =	task [dreg:s7], $0x5FFFF  }
0xac: {  	[dreg:$0x1] =	wrdreg $0xFFFFFFFF  }
0xad: {  	[dreg:$0x0] =	wrdreg $0x60  }
0xae: {  	[dreg:$0x2] =	wrdreg s24  }
0xaf: {  	[dreg:$0x3] =	wrdreg s2  }
0xb0: {  	[dreg:$0x4] =	wrdreg $0x37800  }
0xb1: {  	[dreg:$0x5] =	wrdreg $0x9  }
0xb2: {  	_ =	task.clear_ibuf [dreg:s7], $0x6FFFF;
	_ =	strace $0x90000049  }
0xb3: {  	s29 =	simm.s32 $0x9;
	_ =	strace $0x8000004B  }
0xb4: {  	_ =	swait.ge [sflag:s29], $0x1  }
0xb5: {  	[sflag:s29] =	ssyncadd.s32 $0xFFFFFFFF  }
0xb6: {  	_ =	strace $0x9000004B  }
0xb7: {  	_ =	sfence  }
0xb8: {  	s30 =	sld [smem:$0x0];
	_ =	sdelay $0x2  }
0xb9: {  	s31 =	sshll.u32 s1, $0xD;
	s1 =	sshrl.u32 s1, $0x2  }
0xba: {  	s3 =	sand.u32 $0x4000, s31;
	s1 =	sadd.s32 s1, s30  }
0xbb: {  	s0 =	sor.u32 s3, s0;
	s1 =	sshll.u32 s1, $0x11  }
0xbc: {  	s0 =	sor.u32 s1, s0  }
0xbd: {  	s0 =	sadd.s32 $0x8F2B, s0  }
0xbe: {  	[sflag:s0] =	ssyncadd.remote.s32 $0x1  }
0xbf: {  	_ =	sfence.sel $0xFFFF  }
0xc0: {  	[dreg:$0x0] =	wrdreg $0xFFFFFFFF;
	(pc) =	sbr.abs _section_cstart, $3  }
0xc1: {  	[dreg:$0x1] =	wrdreg $0xFFFFFFFF  }
0xc2: {  	_ =	task.clear_ibuf [dreg:s7], $0x2FFFF;
	_ =	strace $0x9FFFFFFF  }
0xc3: {  	(tm) =	ssettm $0x7FFFFFFF  }
tec
execute0_lowered:
.L_overlay_start_1:
0x0: {  	(tag) =	ssettag $0x1  }
0x1: {  	s4 =	rddreg [dreg:$0x0]  }
0x2: {  	s5 =	rddreg [dreg:$0x1];
	s1 =	srdreg.scid  }
0x3: {  	s0 =	stileid.u32;
	s2 =	rddreg [dreg:$0x2]  }
0x4: {  	s3 =	simm.s32 $0x0;
	s15 =	simm.s32 $0x80;
	s16 =	simm.s32 $0x0  }
0x5: {  	s6 =	sand.u32 $0x1, s1;
	s7 =	smul.u32 $0x9C, s0;
	s1 =	rddreg [dreg:$0x3]  }
0x6: {  	s22 =	sshll.u32 s0, $0x1;
	[smem:$0x7FF] =	sst s3;
	s11 =	smul.u32 $0x4E20, s0  }
0x7: {  	p0 =	slt.u32 s0, $0x2;
	s31 =	sshll.u32 s0, $0x6;
	s9 =	smul.u32 $0x4E, s6  }
0x8: {  	s8 =	sor.u32 s6, s22;
	s23 =	smul.u32 $0x4E200, s6;
	_ =	strace $0x8000004A  }
0x9: {  	s6 =	ssub.s32 $0x2, s6;
	s10 =	smul.u32 $0x4E, s8;
	s8 =	smin.u32 s8, $0x4  }
0xa: {  	s29 =	sshrl.u32 s6, $0x1;
	s30 =	sshrl.u32 s11, $0x3;
	s14 =	sadd.s32 s11, s2  }
0xb: {  	s7 =	sadd.s32 s9, s7;
	s9 =	sadd.s32 s11, s23;
	s13 =	ssub.s32 s6, s29  }
0xc: {  	s5 =	sadd.s32 s5, s30;
	s6 =	sor.u32 $0x1C01, s31;
	s7 =	sadd.s32 s8, s7  }
0xd: {  	s8 =	sadd.s32 s8, s10;
	s25 =	sshrl.u32 s9, $0x3;
	s10 =	smax.u32 s13, $0x1  }
0xe: {  	s7 =	sshll.u32 s7, $0x9;
	s24 =	sshll.u32 s8, $0x4;
	s28 =	sadd.s32 s25, s4  }
0xf: {  	s12 =	sadd.s32 s7, s4;
	s26 =	sadd.s32 s24, s4;
	s4 =	simm.s32 $0x4F  }
0x10: {  	s13 =	simm.s32 $0x1;
	s9 =	sadd.s32 $0x177600, s28;
	s4 =	simm.s32 @!p0 $0x4E  }
0x11: {  	s7 =	sadd.s32 $0x35000, s26;
	s8 =	sadd.s32 $0x354E0, s26;
	s11 =	sadd.s32 $0x3EE00, s12  }
0x12: {  	p0 =	sgt.u32 s0, $0x1;
	s12 =	sshrl.u32 s14, $0x3;
	s14 =	simm.s32 $0x2780  }
.LBB2_1:
0x13: {  	[spmem:s12], [sflag:s6] =	dma.local [hbm:s5], $0x9C4  }
0x14: {  	_ =	swait.ge [sflag:s13], $0x9C4  }
0x15: {  	[sflag:s13] =	ssyncset.done $0x0  }
0x16: {  	[sflag:s13] =	ssyncadd.s32 $0xFFFFF63C  }
0x17: {  	[bflag:$0x0] =	sbarrier.arrive $0xFFFF  }
0x18: {  	[tilespmem:s3], [sflag:$0x1] =	stream.linear.gather [hbm4b:s7+s3], $0x2700, $0x38;
	[tilespmem:$0x85A0] =	vst v63  }
0x19: {  	_ =	swait.ge [sflag:s13], $0x2700  }
0x1a: {  	[sflag:s13] =	ssyncset.done $0x0  }
0x1b: {  	s17 =	simm.s32 @!p0 $0x0;
	s18 =	simm.s32 @!p0 $0x2700;
	[sflag:s13] =	ssyncadd.s32 $0xFFFFD900  }
0x1c: {  	[tilespmem:s18], [sflag:$0x1] =	stream.linear.gather @!p0 [hbm4b:s8+s17], $0x80, $0x38;
	[tilespmem:$0x85A0] =	vst v63  }
0x1d: {  	s17 =	simm.s32 @!p0 $0x1  }
0x1e: {  	_ =	swait.ge @!p0 [sflag:s17], $0x80  }
0x1f: {  	[sflag:s17] =	ssyncset.done @!p0 $0x0  }
0x20: {  	[sflag:s17] =	ssyncadd.s32 @!p0 $0xFFFFFF80  }
0x21: {  	[tilespmem:s14], [sflag:$0x1] =	stream.linear.gather [hbm4b:s11+s3], $0x1000, $0x38;
	[tilespmem:$0x85A0] =	vst v63  }
0x22: {  	p1 =	sne.s32 s4, $0x1;
	_ =	swait.ge [sflag:s13], $0x1000  }
.Ltmp0:
0x23: {  	[sflag:s13] =	ssyncset.done $0x0;
	(pc) =	sbr.rel @!p1 .LBB2_3-.Ltmp0, $4  }
0x24: {  	[sflag:s13] =	ssyncadd.s32 $0xFFFFF000  }
0x25: {  	[spmem:s2] =	stream.indirect.scatter.add.f32 [tilespmem:s14], [sflag:$0x1], $0x20, s3, s15, $0xb8;
	[tilespmem:$0x85A0] =	vst v63  }
0x26: {  	s19 =	smov.u32 s11;
	_ =	swait.ge [sflag:s13], $0x1000  }
0x27: {  	s18 =	simm.s32 $0x0;
	s17 =	sadd.s32 $0xFFFFFFFF, s4;
	[sflag:s13] =	ssyncset.done $0x0  }
.LBB2_2:
0x28: {  	[sflag:s13] =	ssyncadd.s32 $0xFFFFF000;
	s18 =	sadd.s32 $0x80, s18;
	s19 =	sadd.s32 $0x200, s19  }
0x29: {  	[tilespmem:s14], [sflag:$0x1] =	stream.linear.gather [hbm4b:s19+s3], $0x1000, $0x38;
	[tilespmem:$0x85A0] =	vst v63  }
0x2a: {  	p1 =	sne.s32 s17, $0x1;
	s17 =	sadd.s32 $0xFFFFFFFF, s17;
	_ =	swait.ge [sflag:s13], $0x1000  }
.Ltmp1:
0x2b: {  	[sflag:s13] =	ssyncset.done $0x0;
	(pc) =	sbr.rel @p1 .LBB2_2-.Ltmp1, $4  }
0x2c: {  	[sflag:s13] =	ssyncadd.s32 $0xFFFFF000  }
0x2d: {  	[spmem:s2] =	stream.indirect.scatter.add.f32 [tilespmem:s14], [sflag:$0x1], $0x20, s18, s15, $0xb8;
	[tilespmem:$0x85A0] =	vst v63  }
0x2e: {  	_ =	swait.ge [sflag:s13], $0x1000  }
0x2f: {  	[sflag:s13] =	ssyncset.done $0x0  }
.LBB2_3:
0x30: {  	s16 =	sadd.s32 $0x1, s16  }
0x31: {  	[sflag:s13] =	ssyncadd.s32 $0xFFFFF000;
	p1 =	sne.s32 s16, s10  }
.Ltmp2:
0x32: {  	[bflag:$0x0] =	sbarrier.arrive $0xFFFF;
	(pc) =	sbr.rel @p1 .LBB2_1-.Ltmp2, $4  }
0x33: {  	[hbm:s9], [sflag:s6] =	dma.local [spmem:s12], $0x9C4  }
0x34: {  	_ =	swait.ge [sflag:s13], $0x9C4  }
0x35: {  	[sflag:s13] =	ssyncset.done $0x0  }
0x36: {  	[sflag:s13] =	ssyncadd.s32 $0xFFFFF63C  }
0x37: {  	_ =	sfence.sel $0x180000  }
0x38: {  	[bflag:$0x0] =	sbarrier.arrive $0xFFFF  }
0x39: {  	p0 =	sne.s32 s0, $0x0;
	_ =	strace $0x9000004A  }
0x3a: {  	s0 =	sadd.s32 @!p0 $0x100000, s1;
	[bflag:$0x2] =	sbarrier.arrive $0xFFFF  }
0x3b: {  	[sflag:s0] =	ssyncadd.tile.s32 @!p0 $0x1;
	_ =	shalt  }
.Lfunc_end2:
_tile_overlayer_lowered:
.L_overlay_start_2:
0x3c: {  	(tag) =	ssettag $0x2  }
0x3d: {  	s0 =	rddreg [dreg:$0x0];
	s2 =	stileid.u32  }
0x3e: {  	s1 =	rddreg [dreg:$0x1];
	p0 =	sne.s32 s2, $0x0  }
0x3f: {  	s3 =	rddreg [dreg:$0x2];
	[bflag:$0x3] =	sbarrier.arrive $0xFFFF;
	s2 =	simm.s32 @!p0 $0x1C01  }
0x40: {  	[timem:s3], [sflag:s2] =	dma.local @!p0 [hbm:s0], s1  }
0x41: {  	s0 =	simm.s32 @!p0 $0x1  }
0x42: {  	_ =	swait.ge @!p0 [sflag:s0], s1  }
0x43: {  	s1 =	ssub.s32 @!p0 $0x0, s1;
	[sflag:s0] =	ssyncset.done @!p0 $0x0  }
0x44: {  	[sflag:s0] =	ssyncadd.s32 @!p0 s1  }
0x45: {  	[bflag:$0x3] =	sbarrier.arrive $0xFFFF  }
0x46: {  	_ =	shalt  }

// kernel: kernel.7.cloned.1.call-start
scs
__scs_entry_jumppad:
0x0: {  	(pc) =	sbr.rel $0x88, $3  }
0x1: {  	(tag) =	ssettag $0x0;
	lr =	simm.s32 $0x1  }
0x2: {  	[smem:$0x3F92] =	sst lr;
	_ =	strace $0xD0000000  }
0x3: {  	_ = 	snop  }
0x4: {  	_ = 	snop  }
0x5: {  	_ = 	snop  }
0x6: {  	_ = 	snop  }
0x7: {  	_ = 	snop  }
__scs_overlays_trampoline_lowered:
0x8: {  	[smem:$0x3FA1] =	sst s0  }
0x9: {  	[smem:$0x3FA2] =	sst s1  }
0xa: {  	[smem:$0x3FA3] =	sst s2  }
0xb: {  	[smem:$0x3FA4] =	sst s3  }
0xc: {  	[smem:$0x3FA5] =	sst s4  }
0xd: {  	[smem:$0x3FA6] =	sst s5  }
0xe: {  	[smem:$0x3FA7] =	sst s6  }
0xf: {  	[smem:$0x3FA8] =	sst s7  }
0x10: {  	[smem:$0x3FA9] =	sst s8  }
0x11: {  	[smem:$0x3FAA] =	sst s9;
	s0 =	simm.s32 @!p0 $0x0  }
0x12: {  	s1 =	sld [smem:$0x3F90];
	s0 =	simm.s32 @p0 $0x1  }
0x13: {  	[smem:$0x3FAB] =	sst s0;
	s0 =	simm.s32 @!p1 $0x0  }
0x14: {  	s2 =	sld [smem:$0x3F8F];
	s0 =	simm.s32 @p1 $0x1  }
0x15: {  	[smem:$0x3FAC] =	sst s0;
	s0 =	simm.s32 @!p2 $0x0  }
0x16: {  	s3 =	sld [smem:$0x3FDB];
	s0 =	simm.s32 @p2 $0x1  }
0x17: {  	s4 =	simm.s32 $0x1BF5;
	[smem:$0x3FAE] =	sst s0  }
0x18: {  	s0 =	sld [smem:$0x3F91];
	_ =	swait.ge [sflag:s4], $0x0  }
0x19: {  	s7 =	sld [smem:$0x3F92]  }
0x1a: {  	s8 =	sadd.s32 $0xFFFFE003, lr  }
0x1b: {  	s9 =	sadd.s32 $0xFFFFFEF7, lr;
	s5 =	simm.s32 $0xFFFFFFFF;
	p2 =	slt.u32 s8, $0xFFFFF086  }
0x1c: {  	p1 =	slt.u32 s9, $0xF7A;
	s5 =	simm.s32 @!p2 $0x0  }
0x1d: {  	s5 =	simm.s32 @p1 $0x1;
	p0 =	seq.s32 s7, s2  }
0x1e: {  	s7 =	smul.u32 @!p0 $0xF7A, s2;
	p2 =	seq.s32 @!p0 s5, $0x0  }
0x1f: {  	s9 =	smul.u32 $0xF7A, s1;
	s8 =	simm.s32 @!p0 $0x1BF5;
	p2 =	por !p2, p0  }
0x20: {  	[sflag:s8] =	ssyncset.s32 @!p0 $0xFFFFF086;
	s6 =	sadd.s32 @!p0 s3, s7;
	s7 =	simm.s32 @!p0 $0x108  }
0x21: {  	s3 =	sadd.s32 s3, s9;
	s6 =	sadd.s32 @!p0 $0x88, s6;
	s7 =	simm.s32 @p2 $0x1082  }
0x22: {  	[simem:s7], [sflag:s8] =	dma.local @!p0 [hbm:s6], $0xF7A  }
0x23: {  	s9 =	sor.u32 $0xD0000000, s2;
	s6 =	simm.s32 $0x108;
	_ =	swait.ge @!p0 [sflag:s8], $0x0  }
0x24: {  	s3 =	sadd.s32 $0x88, s3;
	s6 =	simm.s32 @!p1 $0x1082;
	[sflag:s4] =	ssyncset.s32 $0xFFFFF086  }
0x25: {  	[simem:s6], [sflag:s4] =	dma.local [hbm:s3], $0xF7A  }
0x26: {  	[smem:$0x3F92] =	sst s1;
	(tag) =	ssettag s2;
	_ =	strace s9  }
0x27: {  	s1 =	sld [smem:$0x3FA2]  }
0x28: {  	s2 =	sld [smem:$0x3FA3]  }
0x29: {  	s4 =	sld [smem:$0x3FA5]  }
0x2a: {  	p0 =	seq.s32 s5, $0x0;
	s5 =	sld [smem:$0x3FA6]  }
0x2b: {  	s6 =	sld [smem:$0x3FA7]  }
0x2c: {  	s7 =	sld [smem:$0x3FA8]  }
0x2d: {  	s3 =	simm.s32 $0x108;
	s8 =	sld [smem:$0x3FA9]  }
0x2e: {  	s3 =	simm.s32 @!p0 $0x1082;
	s9 =	sld [smem:$0x3FAA]  }
0x2f: {  	lr =	sadd.s32 s0, s3;
	s0 =	sld [smem:$0x3FA1]  }
0x30: {  	s3 =	sld [smem:$0x3FA4]  }
0x31: {  	[smem:$0x3FAD] =	sst s10  }
0x32: {  	s10 =	sld [smem:$0x3FAB];
	_ =	sdelay $0x3  }
0x33: {  	p0 =	seq.s32 s10, $0x1;
	s10 =	sld [smem:$0x3FAD];
	_ =	sdelay $0x3  }
0x34: {  	[smem:$0x3FAD] =	sst s10  }
0x35: {  	s10 =	sld [smem:$0x3FAC];
	_ =	sdelay $0x3  }
0x36: {  	p1 =	seq.s32 s10, $0x1;
	s10 =	sld [smem:$0x3FAD];
	_ =	sdelay $0x3  }
0x37: {  	[smem:$0x3FAD] =	sst s10  }
0x38: {  	s10 =	sld [smem:$0x3FAE]  }
0x39: {  	_ = 	snop;
	(pc) =	sbr.ind lr, $3  }
0x3a: {  	_ = 	snop  }
0x3b: {  	_ = 	snop  }
0x3c: {  	p2 =	seq.s32 s10, $0x1;
	s10 =	sld [smem:$0x3FAD]  }
0x3d: {  	_ =	shalt  }
0x3e: {  	_ =	shalt  }
0x3f: {  	_ =	shalt  }
0x40: {  	_ =	shalt  }
0x41: {  	_ =	shalt  }
0x42: {  	_ =	shalt  }
0x43: {  	_ =	shalt  }
0x44: {  	_ =	shalt  }
0x45: {  	_ =	shalt  }
0x46: {  	_ =	shalt  }
0x47: {  	_ =	shalt  }
0x48: {  	_ =	shalt  }
0x49: {  	_ =	shalt  }
0x4a: {  	_ =	shalt  }
0x4b: {  	_ =	shalt  }
0x4c: {  	_ =	shalt  }
0x4d: {  	_ =	shalt  }
0x4e: {  	_ =	shalt  }
0x4f: {  	_ =	shalt  }
0x50: {  	_ =	shalt  }
0x51: {  	_ =	shalt  }
0x52: {  	_ =	shalt  }
0x53: {  	_ =	shalt  }
0x54: {  	_ =	shalt  }
0x55: {  	_ =	shalt  }
0x56: {  	_ =	shalt  }
0x57: {  	_ =	shalt  }
0x58: {  	_ =	shalt  }
0x59: {  	_ =	shalt  }
0x5a: {  	_ =	shalt  }
0x5b: {  	_ =	shalt  }
0x5c: {  	_ =	shalt  }
0x5d: {  	_ =	shalt  }
0x5e: {  	_ =	shalt  }
0x5f: {  	_ =	shalt  }
0x60: {  	_ =	shalt  }
0x61: {  	_ =	shalt  }
0x62: {  	_ =	shalt  }
0x63: {  	_ =	shalt  }
0x64: {  	_ =	shalt  }
0x65: {  	_ =	shalt  }
0x66: {  	_ =	shalt  }
0x67: {  	_ =	shalt  }
0x68: {  	_ =	shalt  }
0x69: {  	_ =	shalt  }
0x6a: {  	_ =	shalt  }
0x6b: {  	_ =	shalt  }
0x6c: {  	_ =	shalt  }
0x6d: {  	_ =	shalt  }
0x6e: {  	_ =	shalt  }
0x6f: {  	_ =	shalt  }
0x70: {  	_ =	shalt  }
0x71: {  	_ =	shalt  }
0x72: {  	_ =	shalt  }
0x73: {  	_ =	shalt  }
0x74: {  	_ =	shalt  }
0x75: {  	_ =	shalt  }
0x76: {  	_ =	shalt  }
0x77: {  	_ =	shalt  }
0x78: {  	_ =	shalt  }
0x79: {  	_ =	shalt  }
0x7a: {  	_ =	shalt  }
0x7b: {  	_ =	shalt  }
0x7c: {  	_ =	shalt  }
0x7d: {  	_ =	shalt  }
0x7e: {  	_ =	shalt  }
0x7f: {  	_ =	shalt  }
0x80: {  	_ =	shalt  }
0x81: {  	_ =	shalt  }
0x82: {  	_ =	shalt  }
0x83: {  	_ =	shalt  }
0x84: {  	_ =	shalt  }
0x85: {  	_ =	shalt  }
0x86: {  	_ =	shalt  }
0x87: {  	_ =	shalt  }
.Lfunc_end0:
.L_simem_size_0:
called_computation_lowered:
.L_overlay_start_0:
0x88: {  	s2 =	sld [smem:$0x3FD9]  }
0x89: {  	s3 =	sld [smem:$0x3FFE];
	_ =	sdelay $0x1  }
0x8a: {  	s1 =	srdreg.scid  }
0x8b: {  	s0 =	sand.u32 $0x1, s1  }
0x8c: {  	s17 =	sshll.u32 s0, $0xA;
	s2 =	sadd.s32 s3, s2  }
0x8d: {  	s2 =	sadd.s32 s2, s17  }
0x8e: {  	[smem:$0x3FB9] =	sst s2  }
0x8f: {  	_ = 	snop  }
0x90: {  	s2 =	sld [smem:$0x3FD0];
	(tm) =	ssettm $0x1  }
0x91: {  	s18 =	sld [smem:$0x3FFB];
	_ =	sdelay $0x3  }
0x92: {  	_ =	strace s18  }
0x93: {  	s3 =	sld [smem:$0x3FFC];
	_ =	sdelay $0x3  }
0x94: {  	_ =	strace s3  }
0x95: {  	s3 =	sld [smem:$0x3FFD];
	_ =	sdelay $0x3  }
0x96: {  	_ =	strace s3  }
0x97: {  	_ =	strace $0x8FFFFFFF  }
0x98: {  	s19 =	sld [smem:$0x3FDB];
	_ =	sdelay $0x1  }
0x99: {  	s4 =	simm.s32 $_scs_section_size  }
0x9a: {  	s5 =	simm.s32 $_size__tile_overlayer_lowered;
	s6 =	simm.s32 $_tile_overlayer_lowered  }
0x9b: {  	s22 =	simm.s32 $0x1BFF;
	s21 =	sshll.u32 s6, $0x1;
	s3 =	sadd.s32 s4, s19  }
0x9c: {  	s7 =	simm.s32 $0x0;
	s20 =	sshll.u32 s5, $0x1;
	s5 =	sadd.s32 s21, s3  }
0x9d: {  	[timem:s7], [sflag:s22] =	dma.local [hbm:s5], s20  }
0x9e: {  	_ =	swait.ge [sflag:s22], s20  }
0x9f: {  	s4 =	ssub.s32 $0x0, s20;
	[sflag:s22] =	ssyncset.done $0x0  }
0xa0: {  	[sflag:s22] =	ssyncadd.s32 s4;
	_ =	sdelay $0x1  }
0xa1: {  	s23 =	simm.s32 $0x1B8B  }
0xa2: {  	_ =	swait.ge [sflag:s23], $0x1  }
0xa3: {  	[sflag:s23] =	ssyncset.done $0x0  }
0xa4: {  	s25 =	simm.s32 $0x1B8E;
	s24 =	sld [smem:$0x3FFE];
	[sflag:s23] =	ssyncadd.s32 $0xFFFFFFFF  }
0xa5: {  	s26 =	simm.s32 $execute0_lowered;
	[smem:$0x3FD2] =	sst s25  }
0xa6: {  	s5 =	sshll.u32 s26, $0x1;
	_ =	strace $0x80000046;
	[dreg:$0x1] =	wrdreg $0xFFFFFFFF  }
0xa7: {  	s28 =	simm.s32 $_size_execute0_lowered;
	s3 =	sadd.s32 s3, s5;
	[dreg:$0x0] =	wrdreg $0x0  }
0xa8: {  	s5 =	sshll.u32 s28, $0x1;
	[dreg:$0x2] =	wrdreg s3  }
0xa9: {  	[dreg:$0x3] =	wrdreg s5  }
0xaa: {  	[dreg:$0x4] =	wrdreg $0xC0  }
0xab: {  	_ =	task [dreg:s7], $0x5FFFF  }
0xac: {  	[dreg:$0x1] =	wrdreg $0xFFFFFFFF  }
0xad: {  	[dreg:$0x0] =	wrdreg $0x60  }
0xae: {  	[dreg:$0x2] =	wrdreg s2  }
0xaf: {  	[dreg:$0x3] =	wrdreg s24  }
0xb0: {  	[dreg:$0x4] =	wrdreg $0x9  }
0xb1: {  	_ =	task.clear_ibuf [dreg:s7], $0x5FFFF;
	_ =	strace $0x90000046  }
0xb2: {  	s29 =	simm.s32 $0x9;
	_ =	strace $0x80000048  }
0xb3: {  	_ =	swait.ge [sflag:s29], $0x1  }
0xb4: {  	[sflag:s29] =	ssyncadd.s32 $0xFFFFFFFF  }
0xb5: {  	_ =	strace $0x90000048  }
0xb6: {  	_ =	sfence  }
0xb7: {  	s30 =	sld [smem:$0x0];
	_ =	sdelay $0x2  }
0xb8: {  	s31 =	sshll.u32 s1, $0xD;
	s1 =	sshrl.u32 s1, $0x2  }
0xb9: {  	s3 =	sand.u32 $0x4000, s31;
	s1 =	sadd.s32 s1, s30  }
0xba: {  	s0 =	sor.u32 s3, s0;
	s1 =	sshll.u32 s1, $0x11  }
0xbb: {  	s0 =	sor.u32 s1, s0  }
0xbc: {  	s0 =	sadd.s32 $0x8F2B, s0  }
0xbd: {  	[sflag:s0] =	ssyncadd.remote.s32 $0x1  }
0xbe: {  	_ =	sfence.sel $0xFFFF  }
0xbf: {  	[dreg:$0x0] =	wrdreg $0xFFFFFFFF;
	(pc) =	sbr.abs _section_cstart, $3  }
0xc0: {  	[dreg:$0x1] =	wrdreg $0xFFFFFFFF  }
0xc1: {  	_ =	task.clear_ibuf [dreg:s7], $0x2FFFF;
	_ =	strace $0x9FFFFFFF  }
0xc2: {  	(tm) =	ssettm $0x7FFFFFFF  }
0xc3: {  	_ =	shalt  }
tec
execute0_lowered:
.L_overlay_start_1:
0x0: {  	(tag) =	ssettag $0x1  }
0x1: {  	s1 =	srdreg.scid  }
0x2: {  	s0 =	stileid.u32;
	s2 =	rddreg [dreg:$0x0]  }
0x3: {  	s6 =	rddreg [dreg:$0x1];
	s9 =	simm.s32 $0x80;
	s10 =	simm.s32 $0x1  }
0x4: {  	s11 =	simm.s32 $0x0;
	s4 =	sand.u32 $0x1, s1;
	s5 =	smul.u32 $0x9C, s0  }
0x5: {  	s3 =	sshll.u32 s0, $0x1;
	s1 =	rddreg [dreg:$0x2];
	p0 =	slt.u32 s0, $0x2  }
0x6: {  	s7 =	smul.u32 $0x4E, s4;
	s8 =	sor.u32 s4, s3;
	s3 =	simm.s32 $0x0  }
0x7: {  	s4 =	ssub.s32 $0x2, s4;
	s8 =	smin.u32 s8, $0x4;
	[smem:$0x7FF] =	sst s3  }
0x8: {  	s31 =	sshrl.u32 s4, $0x1;
	s5 =	sadd.s32 s7, s5;
	_ =	strace $0x80000047  }
0x9: {  	s5 =	sadd.s32 s8, s5;
	s8 =	ssub.s32 s4, s31;
	s4 =	simm.s32 $0x4F  }
0xa: {  	s30 =	sshll.u32 s5, $0x4;
	s5 =	sshll.u32 s5, $0x9;
	s4 =	simm.s32 @!p0 $0x4E  }
0xb: {  	s7 =	sadd.s32 s30, s6;
	s6 =	sadd.s32 s5, s6;
	s5 =	smax.u32 s8, $0x1  }
0xc: {  	s8 =	simm.s32 $0x2;
	s6 =	sadd.s32 $0x3EE00, s6;
	s7 =	sadd.s32 $0x2B200, s7  }
.LBB2_1:
0xd: {  	[tilespmem:s3], [sflag:$0x2] =	stream.linear.gather [hbm4b:s7+s3], $0x80, $0x38;
	[tilespmem:$0x1080] =	vst v63  }
0xe: {  	_ =	swait.ge [sflag:s8], $0x80  }
0xf: {  	[sflag:s8] =	ssyncset.done $0x0  }
0x10: {  	[sflag:s8] =	ssyncadd.s32 $0xFFFFFF80  }
0x11: {  	[tilespmem:s9], [sflag:$0x1] =	stream.indirect.gather [hbm4b:s2+s9], $0x20, s3, s9, $0xb8;
	[tilespmem:$0x1080] =	vst v63  }
0x12: {  	p0 =	sne.s32 s4, $0x1;
	_ =	swait.ge [sflag:s10], $0x1000  }
.Ltmp0:
0x13: {  	[sflag:s10] =	ssyncset.done $0x0;
	(pc) =	sbr.rel @!p0 .LBB2_3-.Ltmp0, $4  }
0x14: {  	[sflag:s10] =	ssyncadd.s32 $0xFFFFF000  }
0x15: {  	[hbm4b:s6+s3] =	stream.linear.scatter [tilespmem:s9], [sflag:$0x2], $0x1000, $0x38;
	[tilespmem:$0x1080] =	vst v63  }
0x16: {  	s12 =	sadd.s32 $0xFFFFFFFF, s4;
	_ =	swait.ge [sflag:s8], $0x1000  }
0x17: {  	s13 =	smov.u32 s6;
	s14 =	smov.u32 s7;
	[sflag:s8] =	ssyncset.done $0x0  }
.LBB2_2:
0x18: {  	[sflag:s8] =	ssyncadd.s32 $0xFFFFF000;
	s13 =	sadd.s32 $0x200, s13;
	s14 =	sadd.s32 $0x10, s14  }
0x19: {  	[tilespmem:s3], [sflag:$0x2] =	stream.linear.gather [hbm4b:s14+s3], $0x80, $0x38;
	[tilespmem:$0x1080] =	vst v63  }
0x1a: {  	p0 =	sne.s32 s12, $0x1;
	s12 =	sadd.s32 $0xFFFFFFFF, s12;
	_ =	swait.ge [sflag:s8], $0x80  }
0x1b: {  	[sflag:s8] =	ssyncset.done $0x0  }
0x1c: {  	[sflag:s8] =	ssyncadd.s32 $0xFFFFFF80  }
0x1d: {  	[tilespmem:s9], [sflag:$0x1] =	stream.indirect.gather [hbm4b:s2+s9], $0x20, s3, s9, $0xb8;
	[tilespmem:$0x1080] =	vst v63  }
0x1e: {  	_ =	swait.ge [sflag:s10], $0x1000  }
.Ltmp1:
0x1f: {  	[sflag:s10] =	ssyncset.done $0x0;
	(pc) =	sbr.rel @p0 .LBB2_2-.Ltmp1, $4  }
0x20: {  	[sflag:s10] =	ssyncadd.s32 $0xFFFFF000  }
0x21: {  	[hbm4b:s13+s3] =	stream.linear.scatter [tilespmem:s9], [sflag:$0x2], $0x1000, $0x38;
	[tilespmem:$0x1080] =	vst v63  }
0x22: {  	_ =	swait.ge [sflag:s8], $0x1000  }
0x23: {  	[sflag:s8] =	ssyncset.done $0x0  }
.LBB2_3:
0x24: {  	s11 =	sadd.s32 $0x1, s11  }
0x25: {  	p0 =	sne.s32 s11, s5  }
.Ltmp2:
0x26: {  	_ = 	snop;
	(pc) =	sbr.rel @p0 .LBB2_1-.Ltmp2, $2  }
0x27: {  	_ =	sdelay $0x2  }
0x28: {  	[sflag:s8] =	ssyncadd.s32 $0xFFFFF000  }
0x29: {  	_ =	sfence.sel $0x180000  }
0x2a: {  	[bflag:$0x0] =	sbarrier.arrive $0xFFFF  }
0x2b: {  	p0 =	sne.s32 s0, $0x0;
	_ =	strace $0x90000047  }
0x2c: {  	s0 =	sadd.s32 @!p0 $0x100000, s1;
	[bflag:$0x2] =	sbarrier.arrive $0xFFFF  }
0x2d: {  	[sflag:s0] =	ssyncadd.tile.s32 @!p0 $0x1;
	_ =	shalt  }
.Lfunc_end2:
_tile_overlayer_lowered:
.L_overlay_start_2:
0x2e: {  	(tag) =	ssettag $0x2  }
0x2f: {  	s0 =	rddreg [dreg:$0x0];
	s2 =	stileid.u32  }
0x30: {  	s1 =	rddreg [dreg:$0x1];
	p0 =	sne.s32 s2, $0x0  }
0x31: {  	s3 =	rddreg [dreg:$0x2];
	[bflag:$0x3] =	sbarrier.arrive $0xFFFF;
	s2 =	simm.s32 @!p0 $0x1C02  }
0x32: {  	[timem:s3], [sflag:s2] =	dma.local @!p0 [hbm:s0], s1  }
0x33: {  	s0 =	simm.s32 @!p0 $0x2  }
0x34: {  	_ =	swait.ge @!p0 [sflag:s0], s1  }
0x35: {  	s1 =	ssub.s32 @!p0 $0x0, s1;
	[sflag:s0] =	ssyncset.done @!p0 $0x0  }
0x36: {  	[sflag:s0] =	ssyncadd.s32 @!p0 s1  }
0x37: {  	[bflag:$0x3] =	sbarrier.arrive $0xFFFF  }
0x38: {  	_ =	shalt  }

</sc_bundles>
